<compile_context>
chip_gen: v7x
topology: tpu7x:2x2x1
jax: 0.10.2.dev20260603
libtpu: 0.0.44.dev20260713+nightly
codegen_flags: <defaults>
</compile_context>

<pallas_src>
import functools

import jax
import jax.numpy as jnp
from jax import lax
from jax.experimental import pallas as pl
from jax.experimental.pallas import tpu as pltpu
from jax.experimental.pallas import tpu_sc as plsc

B, S, D = 4, 4096, 4096
DR = 256
NIN = 2048
K = 512
S_BLK = 64
N_STEPS = S // S_BLK


def _fused_body(x_ref, w1_ref, b1_ref, g_ref, be_ref, w2_ref, b2_ref,
                nk_ref, w_ref, rank_ref, gc_ref):
    s = pl.program_id(0)
    m = jnp.max(x_ref[...], axis=1)

    @pl.when(s == 0)
    def _init():
        gc_ref[...] = m

    @pl.when(s != 0)
    def _acc():
        gc_ref[...] = jnp.maximum(gc_ref[...], m)

    @pl.when(s == N_STEPS - 1)
    def _head():
        gc = gc_ref[...]
        h = jnp.dot(gc, w1_ref[...],
                    preferred_element_type=jnp.float32) + b1_ref[...]
        h = 0.5 * h * (1.0 + lax.erf(h * (2.0 ** -0.5)))
        mu = jnp.mean(h, axis=-1, keepdims=True)
        var = jnp.mean((h - mu) ** 2, axis=-1, keepdims=True)
        h = (h - mu) / jnp.sqrt(var + 1e-5) * g_ref[...] + be_ref[...]
        q = jnp.dot(h, w2_ref[...],
                    preferred_element_type=jnp.float32) + b2_ref[...]
        nk = nk_ref[...]
        scale = 1.0 / (DR ** 0.5)
        logits = lax.dot_general(q, nk, (((1,), (1,)), ((), ())),
                                 preferred_element_type=jnp.float32) * scale
        logits_t = jnp.transpose(logits, (1, 0))
        z = logits * 10.0
        zmax = jnp.max(z, axis=-1, keepdims=True)
        ez = jnp.exp(z - zmax)
        p = ez / jnp.sum(ez, axis=-1, keepdims=True)

        CH = 256
        n_ch = NIN // CH
        j_idx = lax.broadcasted_iota(jnp.int32, (CH, NIN), 1)
        i_lt_j = []
        for c in range(n_ch):
            i_idx = lax.broadcasted_iota(jnp.int32, (CH, NIN), 0) + c * CH
            i_lt_j.append(i_idx < j_idx)
        for b in range(B):
            rowv = logits[b:b + 1, :]
            acc = jnp.zeros((1, NIN), jnp.int32)
            for c in range(n_ch):
                colv = logits_t[c * CH:(c + 1) * CH, b:b + 1]
                gt = colv > rowv
                before = gt | ((colv == rowv) & i_lt_j[c])
                acc = acc + jnp.sum(before.astype(jnp.int32), axis=0,
                                    keepdims=True)
            rank_ref[b:b + 1, :] = acc
            maskf = (acc < K).astype(jnp.float32)
            pb = p[b:b + 1, :]
            w_ref[b:b + 1, :] = (maskf + pb) - pb


@functools.lru_cache(maxsize=1)
def _make_sc_scatter():
    info = plsc.get_sparse_core_info()
    nc = info.num_cores

    @functools.partial(
        pl.kernel,
        mesh=plsc.VectorSubcoreMesh(core_axis_name="c", subcore_axis_name="s"),
        compiler_params=pltpu.CompilerParams(needs_layout_passes=False),
        out_type=jax.ShapeDtypeStruct((B, K), jnp.int32),
        scratch_types=[
            pltpu.VMEM((NIN,), jnp.int32),
            pltpu.VMEM((K,), jnp.int32),
        ],
    )
    def sc_scatter(rank_hbm, out_hbm, rank_v, out_v):
        wid = lax.axis_index("s") * nc + lax.axis_index("c")

        @pl.when(wid < B)
        def _():
            pltpu.sync_copy(rank_hbm.at[wid], rank_v)

            def body(c, carry):
                idx = rank_v[pl.ds(c * 16, 16)]
                vals = c * 16 + lax.iota(jnp.int32, 16)
                m = idx < K
                safe_idx = jnp.where(m, idx, 0)
                plsc.store_scatter(out_v, [safe_idx], vals, mask=m)
                return carry

            lax.fori_loop(0, NIN // 16, body, 0)
            pltpu.sync_copy(out_v, out_hbm.at[wid])

    return sc_scatter


def kernel(x, W1, b1, ln_g, ln_b, W2, b2, neuron_keys, k_input):
    del k_input
    c0 = lambda s: (0, 0)
    weights, rank = pl.pallas_call(
        _fused_body,
        grid=(N_STEPS,),
        in_specs=[
            pl.BlockSpec((B, S_BLK, D), lambda s: (0, s, 0)),
            pl.BlockSpec((D, 2 * DR), c0),
            pl.BlockSpec((1, 2 * DR), c0),
            pl.BlockSpec((1, 2 * DR), c0),
            pl.BlockSpec((1, 2 * DR), c0),
            pl.BlockSpec((2 * DR, DR), c0),
            pl.BlockSpec((1, DR), c0),
            pl.BlockSpec((NIN, DR), c0),
        ],
        out_specs=[
            pl.BlockSpec((B, NIN), c0),
            pl.BlockSpec((B, NIN), c0),
        ],
        out_shape=[
            jax.ShapeDtypeStruct((B, NIN), jnp.float32),
            jax.ShapeDtypeStruct((B, NIN), jnp.int32),
        ],
        scratch_shapes=[pltpu.VMEM((B, D), jnp.float32)],
    )(x, W1, b1.reshape(1, -1), ln_g.reshape(1, -1), ln_b.reshape(1, -1),
      W2, b2.reshape(1, -1), neuron_keys)

    input_idx = _make_sc_scatter()(rank)
    return input_idx, weights

# --- scband reference (transcript-rebuilt; emitter-appended) ---
"""Pipeline reference for scband-global-router-7662221656320 (READ-ONLY COPY).

The authoritative reference and input builder live on the scoring server;
editing this copy changes nothing except your own understanding.
"""

import jax, jax.numpy as jnp
import numpy as np


def setup_inputs(seed: int = 0) -> dict:
    key = jax.random.key(seed)
    ks = jax.random.split(key, 8)
    B, S, D = 4, 4096, 4096
    d_r = 256
    n_in = 2048
    x = jax.random.normal(ks[0], (B, S, D), dtype=jnp.float32)
    # query_net (use_mlp=True): Linear(D, 2*d_r) -> GELU -> LayerNorm(2*d_r) -> Linear(2*d_r, d_r)
    W1 = jax.random.normal(ks[1], (D, 2 * d_r), dtype=jnp.float32) * (1.0 / np.sqrt(D))
    b1 = jnp.zeros((2 * d_r,), dtype=jnp.float32)
    ln_g = jnp.ones((2 * d_r,), dtype=jnp.float32)
    ln_b = jnp.zeros((2 * d_r,), dtype=jnp.float32)
    W2 = jax.random.normal(ks[2], (2 * d_r, d_r), dtype=jnp.float32) * (1.0 / np.sqrt(2 * d_r))
    b2 = jnp.zeros((d_r,), dtype=jnp.float32)
    # neuron_keys initialized ~ orthogonal-ish; scale-matched random is fine for a numerical reference
    neuron_keys = jax.random.normal(ks[3], (n_in, d_r), dtype=jnp.float32) * 0.02
    return {"x": x, "W1": W1, "b1": b1, "ln_g": ln_g, "ln_b": ln_b,
            "W2": W2, "b2": b2, "neuron_keys": neuron_keys, "k_input": 512}


def reference(x, W1, b1, ln_g, ln_b, W2, b2, neuron_keys, k_input):
    # global context: max over sequence dim
    global_context = jnp.max(x, axis=1)  # [B, D]
    # query_net MLP
    h = global_context @ W1 + b1
    h = jax.nn.gelu(h, approximate=False)
    mu = jnp.mean(h, axis=-1, keepdims=True)
    var = jnp.var(h, axis=-1, keepdims=True)
    h = (h - mu) / jnp.sqrt(var + 1e-5) * ln_g + ln_b
    query = h @ W2 + b2  # [B, d_r]
    d_r = neuron_keys.shape[1]
    routing_logits = (query @ neuron_keys.T) / jnp.sqrt(jnp.float32(d_r))  # [B, n_in]
    routing_probs = jax.nn.softmax(routing_logits / 0.1, axis=-1)
    _, input_idx = jax.lax.top_k(routing_logits, 512)  # [B, k]
    input_idx = input_idx + (k_input - k_input)
    B = routing_probs.shape[0]
    hard_mask = jnp.zeros_like(routing_probs).at[jnp.arange(B)[:, None], input_idx].set(1.0)
    routing_weights = hard_mask + routing_probs - jax.lax.stop_gradient(routing_probs)
    return input_idx, routing_weights

if __name__ == "__main__":
    import jax
    _d = setup_inputs()
    print(jax.jit(kernel)(*tuple(_d.values())))

</pallas_src>

<mosaic_0001>
#map = affine_map<(d0, d1) -> (0, 0)>
module attributes {stable_mosaic.version = 14 : i64} {
  func.func @sc_scatter(%arg0: i32, %arg1: i32, %arg2: memref<4x2048xi32, #tpu.memory_space<hbm>>, %arg3: memref<4x512xi32, #tpu.memory_space<hbm>>, %arg4: memref<2048xi32, #tpu.memory_space<vmem>>, %arg5: memref<512xi32, #tpu.memory_space<vmem>>) attributes {dimension_semantics = [#tpu.dimension_semantics<core_parallel>, #tpu.dimension_semantics<subcore_parallel>], iteration_bounds = array<i64: 2, 16>, scalar_prefetch = 0 : i64, scratch_operands = 2 : i64, tpu.core_type = #tpu.core_type<sc_vector_subcore>, window_params = [{transform_indices = #map}, {transform_indices = #map}]} {
    %mul3A = arith.constant 2 : i32
    %mul3A_0 = arith.muli %arg1, %mul3A : i32
    %add3A = arith.addi %mul3A_0, %arg0 : i32
    %lt3A = arith.constant 4 : i32
    %lt3A_1 = arith.cmpi slt, %add3A, %lt3A : i32
    %convert_element_type3A = arith.extui %lt3A_1 : i1 to i32
    %cond3A = arith.constant 0 : i32
    %cond3A_2 = arith.cmpi ne, %convert_element_type3A, %cond3A : i32
    scf.if %cond3A_2 {
      "tpu.region"() ({
        %run_scoped3A = tpu.sem_alloc : memref<!tpu.dma_semaphore, #tpu.memory_space<semaphore_mem>>
        %dma_start3A = arith.constant 0 : i32
        %dma_start3A_8 = tpu.memref_slice %arg2[%add3A, %dma_start3A] : memref<4x2048xi32, #tpu.memory_space<hbm>> -> memref<1x2048xi32, #tpu.memory_space<hbm>>
        %dma_start3A_9 = tpu.memref_squeeze %dma_start3A_8 : memref<1x2048xi32, #tpu.memory_space<hbm>> -> memref<2048xi32, #tpu.memory_space<hbm>>
        %dma_start3A_10 = arith.constant 0 : i32
        %dma_start3A_11 = tpu.memref_slice %arg2[%add3A, %dma_start3A_10] : memref<4x2048xi32, #tpu.memory_space<hbm>> -> memref<1x2048xi32, #tpu.memory_space<hbm>>
        %dma_start3A_12 = tpu.memref_squeeze %dma_start3A_11 : memref<1x2048xi32, #tpu.memory_space<hbm>> -> memref<2048xi32, #tpu.memory_space<hbm>>
        tpu.enqueue_dma source(%dma_start3A_12 : memref<2048xi32, #tpu.memory_space<hbm>>) target(%arg4 : memref<2048xi32, #tpu.memory_space<vmem>>) target_semaphore(%run_scoped3A : memref<!tpu.dma_semaphore, #tpu.memory_space<semaphore_mem>>)
        %dma_wait3A = arith.constant 0 : i32
        %dma_wait3A_13 = tpu.memref_slice %arg2[%add3A, %dma_wait3A] : memref<4x2048xi32, #tpu.memory_space<hbm>> -> memref<1x2048xi32, #tpu.memory_space<hbm>>
        %dma_wait3A_14 = tpu.memref_squeeze %dma_wait3A_13 : memref<1x2048xi32, #tpu.memory_space<hbm>> -> memref<2048xi32, #tpu.memory_space<hbm>>
        %dma_wait3A_15 = arith.constant 0 : i32
        %dma_wait3A_16 = tpu.memref_slice %arg2[%add3A, %dma_wait3A_15] : memref<4x2048xi32, #tpu.memory_space<hbm>> -> memref<1x2048xi32, #tpu.memory_space<hbm>>
        %dma_wait3A_17 = tpu.memref_squeeze %dma_wait3A_16 : memref<1x2048xi32, #tpu.memory_space<hbm>> -> memref<2048xi32, #tpu.memory_space<hbm>>
        tpu.wait_dma2 semaphore(%run_scoped3A : memref<!tpu.dma_semaphore, #tpu.memory_space<semaphore_mem>>) src(%dma_wait3A_17 : memref<2048xi32, #tpu.memory_space<hbm>>) dst(%arg4 : memref<2048xi32, #tpu.memory_space<vmem>>)
        tpu.yield
      }) : () -> ()
      %scan3A = arith.constant 0 : i32
      %scan3A_3 = arith.constant 0 : i32
      %scan3A_4 = arith.constant 128 : i32
      %scan3A_5 = arith.addi %scan3A_3, %scan3A_4 : i32
      %scan3A_6 = arith.constant 1 : i32
      scf.for %scan3A_8 = %scan3A_3 to %scan3A_5 step %scan3A_6  : i32 {
        %mul3A_9 = arith.constant 16 : i32
        %mul3A_10 = arith.muli %scan3A_8, %mul3A_9 : i32
        %get3A = arith.index_cast %mul3A_10 : i32 to index
        %get3A_11 = tpu.vector_load %arg4[%get3A] {strides = array<i32>} : memref<2048xi32, #tpu.memory_space<vmem>>, vector<16xi32>,
        %mul3A_12 = arith.constant 16 : i32
        %mul3A_13 = arith.muli %scan3A_8, %mul3A_12 : i32
        %iota3A = tpu.iota {dimensions = array<i32: 0>} : vector<16xi32>
        %add3A_14 = vector.broadcast %mul3A_13 : i32 to vector<16xi32>
        %add3A_15 = arith.addi %add3A_14, %iota3A : vector<16xi32>
        %lt3A_16 = arith.constant 512 : i32
        %lt3A_17 = vector.broadcast %lt3A_16 : i32 to vector<16xi32>
        %lt3A_18 = arith.cmpi slt, %get3A_11, %lt3A_17 : vector<16xi32>
        %jit3A = arith.constant 0 : i32
        %broadcast_in_dim3A = vector.broadcast %jit3A : i32 to vector<16xi32>
        %select_n3A = arith.select %lt3A_18, %get3A_11, %broadcast_in_dim3A : vector<16xi1>, vector<16xi32>
        tpu.vector_store_idx %arg5[%select_n3A], %add3A_15 masked %lt3A_18 : memref<512xi32, #tpu.memory_space<vmem>>[vector<16xi32>], vector<16xi32>, vector<16xi1>
      }
      %scan3A_7 = arith.constant 128 : i32
      "tpu.region"() ({
        %run_scoped3A = tpu.sem_alloc : memref<!tpu.dma_semaphore, #tpu.memory_space<semaphore_mem>>
        %dma_start3A = arith.constant 0 : i32
        %dma_start3A_8 = tpu.memref_slice %arg3[%add3A, %dma_start3A] : memref<4x512xi32, #tpu.memory_space<hbm>> -> memref<1x512xi32, #tpu.memory_space<hbm>>
        %dma_start3A_9 = tpu.memref_squeeze %dma_start3A_8 : memref<1x512xi32, #tpu.memory_space<hbm>> -> memref<512xi32, #tpu.memory_space<hbm>>
        %dma_start3A_10 = arith.constant 0 : i32
        %dma_start3A_11 = tpu.memref_slice %arg3[%add3A, %dma_start3A_10] : memref<4x512xi32, #tpu.memory_space<hbm>> -> memref<1x512xi32, #tpu.memory_space<hbm>>
        %dma_start3A_12 = tpu.memref_squeeze %dma_start3A_11 : memref<1x512xi32, #tpu.memory_space<hbm>> -> memref<512xi32, #tpu.memory_space<hbm>>
        tpu.enqueue_dma source(%arg5 : memref<512xi32, #tpu.memory_space<vmem>>) target(%dma_start3A_12 : memref<512xi32, #tpu.memory_space<hbm>>) target_semaphore(%run_scoped3A : memref<!tpu.dma_semaphore, #tpu.memory_space<semaphore_mem>>)
        %dma_wait3A = arith.constant 0 : i32
        %dma_wait3A_13 = tpu.memref_slice %arg3[%add3A, %dma_wait3A] : memref<4x512xi32, #tpu.memory_space<hbm>> -> memref<1x512xi32, #tpu.memory_space<hbm>>
        %dma_wait3A_14 = tpu.memref_squeeze %dma_wait3A_13 : memref<1x512xi32, #tpu.memory_space<hbm>> -> memref<512xi32, #tpu.memory_space<hbm>>
        %dma_wait3A_15 = arith.constant 0 : i32
        %dma_wait3A_16 = tpu.memref_slice %arg3[%add3A, %dma_wait3A_15] : memref<4x512xi32, #tpu.memory_space<hbm>> -> memref<1x512xi32, #tpu.memory_space<hbm>>
        %dma_wait3A_17 = tpu.memref_squeeze %dma_wait3A_16 : memref<1x512xi32, #tpu.memory_space<hbm>> -> memref<512xi32, #tpu.memory_space<hbm>>
        tpu.wait_dma2 semaphore(%run_scoped3A : memref<!tpu.dma_semaphore, #tpu.memory_space<semaphore_mem>>) src(%arg5 : memref<512xi32, #tpu.memory_space<vmem>>) dst(%dma_wait3A_17 : memref<512xi32, #tpu.memory_space<hbm>>)
        tpu.yield
      }) : () -> ()
    } else {
    }
    return
  }
}

module attributes {stable_mosaic.version = 14 : i64} {
  func.func @_fused_body(%arg0: i32, %arg1: memref<4x64x4096xf32, #tpu.memory_space<vmem>>, %arg2: memref<4096x512xf32, #tpu.memory_space<vmem>>, %arg3: memref<1x512xf32, #tpu.memory_space<vmem>>, %arg4: memref<1x512xf32, #tpu.memory_space<vmem>>, %arg5: memref<1x512xf32, #tpu.memory_space<vmem>>, %arg6: memref<512x256xf32, #tpu.memory_space<vmem>>, %arg7: memref<1x256xf32, #tpu.memory_space<vmem>>, %arg8: memref<2048x256xf32, #tpu.memory_space<vmem>>, %arg9: memref<4x2048xf32, #tpu.memory_space<vmem>>, %arg10: memref<4x2048xi32, #tpu.memory_space<vmem>>, %arg11: memref<4x4096xf32, #tpu.memory_space<vmem>>) attributes {dimension_semantics = [#tpu.dimension_semantics<arbitrary>], iteration_bounds = array<i64: 64>, scalar_prefetch = 0 : i64, scratch_operands = 1 : i64, tpu.core_type = #tpu.core_type<tc>, window_params = [{transform_indices = @transform_0, window_bounds = array<i64: 4, 64, 4096>}, {pipeline_mode = #tpu.pipeline_mode<synchronous>, transform_indices = @transform_1, window_bounds = array<i64: 4096, 512>}, {pipeline_mode = #tpu.pipeline_mode<synchronous>, transform_indices = @transform_2, window_bounds = array<i64: 1, 512>}, {pipeline_mode = #tpu.pipeline_mode<synchronous>, transform_indices = @transform_3, window_bounds = array<i64: 1, 512>}, {pipeline_mode = #tpu.pipeline_mode<synchronous>, transform_indices = @transform_4, window_bounds = array<i64: 1, 512>}, {pipeline_mode = #tpu.pipeline_mode<synchronous>, transform_indices = @transform_5, window_bounds = array<i64: 512, 256>}, {pipeline_mode = #tpu.pipeline_mode<synchronous>, transform_indices = @transform_6, window_bounds = array<i64: 1, 256>}, {pipeline_mode = #tpu.pipeline_mode<synchronous>, transform_indices = @transform_7, window_bounds = array<i64: 2048, 256>}, {pipeline_mode = #tpu.pipeline_mode<synchronous>, transform_indices = @transform_8, window_bounds = array<i64: 4, 2048>}, {pipeline_mode = #tpu.pipeline_mode<synchronous>, transform_indices = @transform_9, window_bounds = array<i64: 4, 2048>}]} {
    %get3A = arith.constant 0 : index
    %get3A_0 = arith.constant 0 : index
    %get3A_1 = arith.constant 0 : index
    %get3A_2 = vector.load %arg1[%get3A, %get3A_0, %get3A_1] : memref<4x64x4096xf32, #tpu.memory_space<vmem>>, vector<4x64x4096xf32>
    %reduce_max3A = arith.constant dense<0xFF800000> : vector<4x4096xf32>
    %reduce_max3A_3 = vector.multi_reduction <maximumf>, %get3A_2, %reduce_max3A [1] : vector<4x64x4096xf32> to vector<4x4096xf32>
    %eq3A = arith.constant 0 : i32
    %eq3A_4 = arith.cmpi eq, %arg0, %eq3A : i32
    %convert_element_type3A = arith.extui %eq3A_4 : i1 to i32
    %cond3A = arith.constant 0 : i32
    %cond3A_5 = arith.cmpi ne, %convert_element_type3A, %cond3A : i32
    scf.if %cond3A_5 {
      %swap3A = arith.constant 0 : index
      %swap3A_15 = arith.constant 0 : index
      %swap3A_16 = vector.load %arg11[%swap3A, %swap3A_15] : memref<4x4096xf32, #tpu.memory_space<vmem>>, vector<4x4096xf32>
      tpu.vector_store %arg11[%swap3A, %swap3A_15], %reduce_max3A_3 {strides = array<i32>} : memref<4x4096xf32, #tpu.memory_space<vmem>>, vector<4x4096xf32>,
    } else {
    }
    %ne3A = arith.constant 0 : i32
    %ne3A_6 = arith.cmpi ne, %arg0, %ne3A : i32
    %convert_element_type3A_7 = arith.extui %ne3A_6 : i1 to i32
    %cond3A_8 = arith.constant 0 : i32
    %cond3A_9 = arith.cmpi ne, %convert_element_type3A_7, %cond3A_8 : i32
    scf.if %cond3A_9 {
      %get3A_15 = arith.constant 0 : index
      %get3A_16 = arith.constant 0 : index
      %get3A_17 = vector.load %arg11[%get3A_15, %get3A_16] : memref<4x4096xf32, #tpu.memory_space<vmem>>, vector<4x4096xf32>
      %max3A = arith.maximumf %get3A_17, %reduce_max3A_3 : vector<4x4096xf32>
      %swap3A = arith.constant 0 : index
      %swap3A_18 = arith.constant 0 : index
      %swap3A_19 = vector.load %arg11[%swap3A, %swap3A_18] : memref<4x4096xf32, #tpu.memory_space<vmem>>, vector<4x4096xf32>
      tpu.vector_store %arg11[%swap3A, %swap3A_18], %max3A {strides = array<i32>} : memref<4x4096xf32, #tpu.memory_space<vmem>>, vector<4x4096xf32>,
    } else {
    }
    %eq3A_10 = arith.constant 63 : i32
    %eq3A_11 = arith.cmpi eq, %arg0, %eq3A_10 : i32
    %convert_element_type3A_12 = arith.extui %eq3A_11 : i1 to i32
    %cond3A_13 = arith.constant 0 : i32
    %cond3A_14 = arith.cmpi ne, %convert_element_type3A_12, %cond3A_13 : i32
    scf.if %cond3A_14 {
      %get3A_15 = arith.constant 0 : index
      %get3A_16 = arith.constant 0 : index
      %get3A_17 = vector.load %arg11[%get3A_15, %get3A_16] : memref<4x4096xf32, #tpu.memory_space<vmem>>, vector<4x4096xf32>
      %get3A_18 = arith.constant 0 : index
      %get3A_19 = arith.constant 0 : index
      %get3A_20 = vector.load %arg2[%get3A_18, %get3A_19] : memref<4096x512xf32, #tpu.memory_space<vmem>>, vector<4096x512xf32>
      %dot_general3A = arith.constant dense<0.000000e+00> : vector<4x512xf32>
      %dot_general3A_21 = tpu.matmul %get3A_17, %get3A_20, %dot_general3A {dimension_numbers = #tpu.dot_dimension_numbers<[1], [0], [0], [1], [0, 0, 1, 1], [], []>, transpose_lhs_hint = false} : vector<4x4096xf32>, vector<4096x512xf32>, vector<4x512xf32> -> vector<4x512xf32>
      %get3A_22 = arith.constant 0 : index
      %get3A_23 = arith.constant 0 : index
      %get3A_24 = vector.load %arg3[%get3A_22, %get3A_23] : memref<1x512xf32, #tpu.memory_space<vmem>>, vector<1x512xf32>
      %add3A = vector.broadcast %get3A_24 : vector<1x512xf32> to vector<4x512xf32>
      %add3A_25 = arith.addf %dot_general3A_21, %add3A : vector<4x512xf32>
      %mul3A = arith.constant 5.000000e-01 : f32
      %mul3A_26 = vector.broadcast %mul3A : f32 to vector<4x512xf32>
      %mul3A_27 = arith.mulf %mul3A_26, %add3A_25 : vector<4x512xf32>
      %mul3A_28 = arith.constant 0.707106769 : f32
      %mul3A_29 = vector.broadcast %mul3A_28 : f32 to vector<4x512xf32>
      %mul3A_30 = arith.mulf %add3A_25, %mul3A_29 : vector<4x512xf32>
      %erf3A = math.erf %mul3A_30 : vector<4x512xf32>
      %add3A_31 = arith.constant 1.000000e+00 : f32
      %add3A_32 = vector.broadcast %add3A_31 : f32 to vector<4x512xf32>
      %add3A_33 = arith.addf %add3A_32, %erf3A : vector<4x512xf32>
      %mul3A_34 = arith.mulf %mul3A_27, %add3A_33 : vector<4x512xf32>
      %reduce_sum3A = arith.constant dense<0.000000e+00> : vector<4xf32>
      %reduce_sum3A_35 = vector.multi_reduction <add>, %mul3A_34, %reduce_sum3A [1] : vector<4x512xf32> to vector<4xf32>
      %broadcast_in_dim3A = vector.shape_cast %reduce_sum3A_35 : vector<4xf32> to vector<4x1xf32>
      %div3A = arith.constant 5.120000e+02 : f32
      %div3A_36 = vector.broadcast %div3A : f32 to vector<4x1xf32>
      %div3A_37 = arith.divf %broadcast_in_dim3A, %div3A_36 : vector<4x1xf32>
      %sub3A = vector.broadcast %div3A_37 : vector<4x1xf32> to vector<4x512xf32>
      %sub3A_38 = arith.subf %mul3A_34, %sub3A : vector<4x512xf32>
      %integer_pow3A = arith.mulf %sub3A_38, %sub3A_38 : vector<4x512xf32>
      %reduce_sum3A_39 = arith.constant dense<0.000000e+00> : vector<4xf32>
      %reduce_sum3A_40 = vector.multi_reduction <add>, %integer_pow3A, %reduce_sum3A_39 [1] : vector<4x512xf32> to vector<4xf32>
      %broadcast_in_dim3A_41 = vector.shape_cast %reduce_sum3A_40 : vector<4xf32> to vector<4x1xf32>
      %div3A_42 = arith.constant 5.120000e+02 : f32
      %div3A_43 = vector.broadcast %div3A_42 : f32 to vector<4x1xf32>
      %div3A_44 = arith.divf %broadcast_in_dim3A_41, %div3A_43 : vector<4x1xf32>
      %sub3A_45 = vector.broadcast %div3A_37 : vector<4x1xf32> to vector<4x512xf32>
      %sub3A_46 = arith.subf %mul3A_34, %sub3A_45 : vector<4x512xf32>
      %add3A_47 = arith.constant 9.99999974E-6 : f32
      %add3A_48 = vector.broadcast %add3A_47 : f32 to vector<4x1xf32>
      %add3A_49 = arith.addf %div3A_44, %add3A_48 : vector<4x1xf32>
      %sqrt3A = math.sqrt %add3A_49 : vector<4x1xf32>
      %div3A_50 = vector.broadcast %sqrt3A : vector<4x1xf32> to vector<4x512xf32>
      %div3A_51 = arith.divf %sub3A_46, %div3A_50 : vector<4x512xf32>
      %get3A_52 = arith.constant 0 : index
      %get3A_53 = arith.constant 0 : index
      %get3A_54 = vector.load %arg4[%get3A_52, %get3A_53] : memref<1x512xf32, #tpu.memory_space<vmem>>, vector<1x512xf32>
      %mul3A_55 = vector.broadcast %get3A_54 : vector<1x512xf32> to vector<4x512xf32>
      %mul3A_56 = arith.mulf %div3A_51, %mul3A_55 : vector<4x512xf32>
      %get3A_57 = arith.constant 0 : index
      %get3A_58 = arith.constant 0 : index
      %get3A_59 = vector.load %arg5[%get3A_57, %get3A_58] : memref<1x512xf32, #tpu.memory_space<vmem>>, vector<1x512xf32>
      %add3A_60 = vector.broadcast %get3A_59 : vector<1x512xf32> to vector<4x512xf32>
      %add3A_61 = arith.addf %mul3A_56, %add3A_60 : vector<4x512xf32>
      %get3A_62 = arith.constant 0 : index
      %get3A_63 = arith.constant 0 : index
      %get3A_64 = vector.load %arg6[%get3A_62, %get3A_63] : memref<512x256xf32, #tpu.memory_space<vmem>>, vector<512x256xf32>
      %dot_general3A_65 = arith.constant dense<0.000000e+00> : vector<4x256xf32>
      %dot_general3A_66 = tpu.matmul %add3A_61, %get3A_64, %dot_general3A_65 {dimension_numbers = #tpu.dot_dimension_numbers<[1], [0], [0], [1], [0, 0, 1, 1], [], []>, transpose_lhs_hint = false} : vector<4x512xf32>, vector<512x256xf32>, vector<4x256xf32> -> vector<4x256xf32>
      %get3A_67 = arith.constant 0 : index
      %get3A_68 = arith.constant 0 : index
      %get3A_69 = vector.load %arg7[%get3A_67, %get3A_68] : memref<1x256xf32, #tpu.memory_space<vmem>>, vector<1x256xf32>
      %add3A_70 = vector.broadcast %get3A_69 : vector<1x256xf32> to vector<4x256xf32>
      %add3A_71 = arith.addf %dot_general3A_66, %add3A_70 : vector<4x256xf32>
      %get3A_72 = arith.constant 0 : index
      %get3A_73 = arith.constant 0 : index
      %get3A_74 = vector.load %arg8[%get3A_72, %get3A_73] : memref<2048x256xf32, #tpu.memory_space<vmem>>, vector<2048x256xf32>
      %dot_general3A_75 = arith.constant dense<0.000000e+00> : vector<4x2048xf32>
      %dot_general3A_76 = tpu.matmul %add3A_71, %get3A_74, %dot_general3A_75 {dimension_numbers = #tpu.dot_dimension_numbers<[1], [1], [0], [0], [0, 0, 1, 0], [], []>, transpose_lhs_hint = false} : vector<4x256xf32>, vector<2048x256xf32>, vector<4x2048xf32> -> vector<4x2048xf32>
      %mul3A_77 = arith.constant 6.250000e-02 : f32
      %mul3A_78 = vector.broadcast %mul3A_77 : f32 to vector<4x2048xf32>
      %mul3A_79 = arith.mulf %dot_general3A_76, %mul3A_78 : vector<4x2048xf32>
      %transpose3A = tpu.transpose %mul3A_79, [1, 0] : vector<4x2048xf32> -> vector<2048x4xf32>
      %mul3A_80 = arith.constant 1.000000e+01 : f32
      %mul3A_81 = vector.broadcast %mul3A_80 : f32 to vector<4x2048xf32>
      %mul3A_82 = arith.mulf %mul3A_79, %mul3A_81 : vector<4x2048xf32>
      %reduce_max3A_83 = arith.constant dense<0xFF800000> : vector<4xf32>
      %reduce_max3A_84 = vector.multi_reduction <maximumf>, %mul3A_82, %reduce_max3A_83 [1] : vector<4x2048xf32> to vector<4xf32>
      %broadcast_in_dim3A_85 = vector.shape_cast %reduce_max3A_84 : vector<4xf32> to vector<4x1xf32>
      %sub3A_86 = vector.broadcast %broadcast_in_dim3A_85 : vector<4x1xf32> to vector<4x2048xf32>
      %sub3A_87 = arith.subf %mul3A_82, %sub3A_86 : vector<4x2048xf32>
      %exp3A = math.exp %sub3A_87 : vector<4x2048xf32>
      %reduce_sum3A_88 = arith.constant dense<0.000000e+00> : vector<4xf32>
      %reduce_sum3A_89 = vector.multi_reduction <add>, %exp3A, %reduce_sum3A_88 [1] : vector<4x2048xf32> to vector<4xf32>
      %broadcast_in_dim3A_90 = vector.shape_cast %reduce_sum3A_89 : vector<4xf32> to vector<4x1xf32>
      %div3A_91 = vector.broadcast %broadcast_in_dim3A_90 : vector<4x1xf32> to vector<4x2048xf32>
      %div3A_92 = arith.divf %exp3A, %div3A_91 : vector<4x2048xf32>
      %iota3A = tpu.iota {dimensions = array<i32: 1>} : vector<256x2048xi32>
      %iota3A_93 = tpu.iota {dimensions = array<i32: 0>} : vector<256x2048xi32>
      %add3A_94 = arith.constant 0 : i32
      %add3A_95 = vector.broadcast %add3A_94 : i32 to vector<256x2048xi32>
      %add3A_96 = arith.addi %iota3A_93, %add3A_95 : vector<256x2048xi32>
      %lt3A = arith.cmpi slt, %add3A_96, %iota3A : vector<256x2048xi32>
      %iota3A_97 = tpu.iota {dimensions = array<i32: 0>} : vector<256x2048xi32>
      %add3A_98 = arith.constant 256 : i32
      %add3A_99 = vector.broadcast %add3A_98 : i32 to vector<256x2048xi32>
      %add3A_100 = arith.addi %iota3A_97, %add3A_99 : vector<256x2048xi32>
      %lt3A_101 = arith.cmpi slt, %add3A_100, %iota3A : vector<256x2048xi32>
      %iota3A_102 = tpu.iota {dimensions = array<i32: 0>} : vector<256x2048xi32>
      %add3A_103 = arith.constant 512 : i32
      %add3A_104 = vector.broadcast %add3A_103 : i32 to vector<256x2048xi32>
      %add3A_105 = arith.addi %iota3A_102, %add3A_104 : vector<256x2048xi32>
      %lt3A_106 = arith.cmpi slt, %add3A_105, %iota3A : vector<256x2048xi32>
      %iota3A_107 = tpu.iota {dimensions = array<i32: 0>} : vector<256x2048xi32>
      %add3A_108 = arith.constant 768 : i32
      %add3A_109 = vector.broadcast %add3A_108 : i32 to vector<256x2048xi32>
      %add3A_110 = arith.addi %iota3A_107, %add3A_109 : vector<256x2048xi32>
      %lt3A_111 = arith.cmpi slt, %add3A_110, %iota3A : vector<256x2048xi32>
      %iota3A_112 = tpu.iota {dimensions = array<i32: 0>} : vector<256x2048xi32>
      %add3A_113 = arith.constant 1024 : i32
      %add3A_114 = vector.broadcast %add3A_113 : i32 to vector<256x2048xi32>
      %add3A_115 = arith.addi %iota3A_112, %add3A_114 : vector<256x2048xi32>
      %lt3A_116 = arith.cmpi slt, %add3A_115, %iota3A : vector<256x2048xi32>
      %iota3A_117 = tpu.iota {dimensions = array<i32: 0>} : vector<256x2048xi32>
      %add3A_118 = arith.constant 1280 : i32
      %add3A_119 = vector.broadcast %add3A_118 : i32 to vector<256x2048xi32>
      %add3A_120 = arith.addi %iota3A_117, %add3A_119 : vector<256x2048xi32>
      %lt3A_121 = arith.cmpi slt, %add3A_120, %iota3A : vector<256x2048xi32>
      %iota3A_122 = tpu.iota {dimensions = array<i32: 0>} : vector<256x2048xi32>
      %add3A_123 = arith.constant 1536 : i32
      %add3A_124 = vector.broadcast %add3A_123 : i32 to vector<256x2048xi32>
      %add3A_125 = arith.addi %iota3A_122, %add3A_124 : vector<256x2048xi32>
      %lt3A_126 = arith.cmpi slt, %add3A_125, %iota3A : vector<256x2048xi32>
      %iota3A_127 = tpu.iota {dimensions = array<i32: 0>} : vector<256x2048xi32>
      %add3A_128 = arith.constant 1792 : i32
      %add3A_129 = vector.broadcast %add3A_128 : i32 to vector<256x2048xi32>
      %add3A_130 = arith.addi %iota3A_127, %add3A_129 : vector<256x2048xi32>
      %lt3A_131 = arith.cmpi slt, %add3A_130, %iota3A : vector<256x2048xi32>
      %slice3A = vector.extract_strided_slice %mul3A_79 {offsets = [0, 0], sizes = [1, 2048], strides = [1, 1]} : vector<4x2048xf32> to vector<1x2048xf32>
      %broadcast_in_dim3A_132 = arith.constant 0 : i32
      %broadcast_in_dim3A_133 = vector.broadcast %broadcast_in_dim3A_132 : i32 to vector<1x2048xi32>
      %slice3A_134 = vector.extract_strided_slice %transpose3A {offsets = [0, 0], sizes = [256, 1], strides = [1, 1]} : vector<2048x4xf32> to vector<256x1xf32>
      %gt3A = vector.broadcast %slice3A_134 : vector<256x1xf32> to vector<256x2048xf32>
      %gt3A_135 = vector.broadcast %slice3A : vector<1x2048xf32> to vector<256x2048xf32>
      %gt3A_136 = arith.cmpf ogt, %gt3A, %gt3A_135 : vector<256x2048xf32>
      %eq3A_137 = vector.broadcast %slice3A_134 : vector<256x1xf32> to vector<256x2048xf32>
      %eq3A_138 = vector.broadcast %slice3A : vector<1x2048xf32> to vector<256x2048xf32>
      %eq3A_139 = arith.cmpf oeq, %eq3A_137, %eq3A_138 : vector<256x2048xf32>
      %and3A = arith.andi %eq3A_139, %lt3A : vector<256x2048xi1>
      %or3A = arith.ori %gt3A_136, %and3A : vector<256x2048xi1>
      %convert_element_type3A_140 = arith.extui %or3A : vector<256x2048xi1> to vector<256x2048xi32>
      %reduce_sum3A_141 = arith.constant dense<0> : vector<2048xi32>
      %reduce_sum3A_142 = vector.multi_reduction <add>, %convert_element_type3A_140, %reduce_sum3A_141 [0] : vector<256x2048xi32> to vector<2048xi32>
      %broadcast_in_dim3A_143 = vector.shape_cast %reduce_sum3A_142 : vector<2048xi32> to vector<1x2048xi32>
      %add3A_144 = arith.addi %broadcast_in_dim3A_133, %broadcast_in_dim3A_143 : vector<1x2048xi32>
      %slice3A_145 = vector.extract_strided_slice %transpose3A {offsets = [256, 0], sizes = [256, 1], strides = [1, 1]} : vector<2048x4xf32> to vector<256x1xf32>
      %gt3A_146 = vector.broadcast %slice3A_145 : vector<256x1xf32> to vector<256x2048xf32>
      %gt3A_147 = vector.broadcast %slice3A : vector<1x2048xf32> to vector<256x2048xf32>
      %gt3A_148 = arith.cmpf ogt, %gt3A_146, %gt3A_147 : vector<256x2048xf32>
      %eq3A_149 = vector.broadcast %slice3A_145 : vector<256x1xf32> to vector<256x2048xf32>
      %eq3A_150 = vector.broadcast %slice3A : vector<1x2048xf32> to vector<256x2048xf32>
      %eq3A_151 = arith.cmpf oeq, %eq3A_149, %eq3A_150 : vector<256x2048xf32>
      %and3A_152 = arith.andi %eq3A_151, %lt3A_101 : vector<256x2048xi1>
      %or3A_153 = arith.ori %gt3A_148, %and3A_152 : vector<256x2048xi1>
      %convert_element_type3A_154 = arith.extui %or3A_153 : vector<256x2048xi1> to vector<256x2048xi32>
      %reduce_sum3A_155 = arith.constant dense<0> : vector<2048xi32>
      %reduce_sum3A_156 = vector.multi_reduction <add>, %convert_element_type3A_154, %reduce_sum3A_155 [0] : vector<256x2048xi32> to vector<2048xi32>
      %broadcast_in_dim3A_157 = vector.shape_cast %reduce_sum3A_156 : vector<2048xi32> to vector<1x2048xi32>
      %add3A_158 = arith.addi %add3A_144, %broadcast_in_dim3A_157 : vector<1x2048xi32>
      %slice3A_159 = vector.extract_strided_slice %transpose3A {offsets = [512, 0], sizes = [256, 1], strides = [1, 1]} : vector<2048x4xf32> to vector<256x1xf32>
      %gt3A_160 = vector.broadcast %slice3A_159 : vector<256x1xf32> to vector<256x2048xf32>
      %gt3A_161 = vector.broadcast %slice3A : vector<1x2048xf32> to vector<256x2048xf32>
      %gt3A_162 = arith.cmpf ogt, %gt3A_160, %gt3A_161 : vector<256x2048xf32>
      %eq3A_163 = vector.broadcast %slice3A_159 : vector<256x1xf32> to vector<256x2048xf32>
      %eq3A_164 = vector.broadcast %slice3A : vector<1x2048xf32> to vector<256x2048xf32>
      %eq3A_165 = arith.cmpf oeq, %eq3A_163, %eq3A_164 : vector<256x2048xf32>
      %and3A_166 = arith.andi %eq3A_165, %lt3A_106 : vector<256x2048xi1>
      %or3A_167 = arith.ori %gt3A_162, %and3A_166 : vector<256x2048xi1>
      %convert_element_type3A_168 = arith.extui %or3A_167 : vector<256x2048xi1> to vector<256x2048xi32>
      %reduce_sum3A_169 = arith.constant dense<0> : vector<2048xi32>
      %reduce_sum3A_170 = vector.multi_reduction <add>, %convert_element_type3A_168, %reduce_sum3A_169 [0] : vector<256x2048xi32> to vector<2048xi32>
      %broadcast_in_dim3A_171 = vector.shape_cast %reduce_sum3A_170 : vector<2048xi32> to vector<1x2048xi32>
      %add3A_172 = arith.addi %add3A_158, %broadcast_in_dim3A_171 : vector<1x2048xi32>
      %slice3A_173 = vector.extract_strided_slice %transpose3A {offsets = [768, 0], sizes = [256, 1], strides = [1, 1]} : vector<2048x4xf32> to vector<256x1xf32>
      %gt3A_174 = vector.broadcast %slice3A_173 : vector<256x1xf32> to vector<256x2048xf32>
      %gt3A_175 = vector.broadcast %slice3A : vector<1x2048xf32> to vector<256x2048xf32>
      %gt3A_176 = arith.cmpf ogt, %gt3A_174, %gt3A_175 : vector<256x2048xf32>
      %eq3A_177 = vector.broadcast %slice3A_173 : vector<256x1xf32> to vector<256x2048xf32>
      %eq3A_178 = vector.broadcast %slice3A : vector<1x2048xf32> to vector<256x2048xf32>
      %eq3A_179 = arith.cmpf oeq, %eq3A_177, %eq3A_178 : vector<256x2048xf32>
      %and3A_180 = arith.andi %eq3A_179, %lt3A_111 : vector<256x2048xi1>
      %or3A_181 = arith.ori %gt3A_176, %and3A_180 : vector<256x2048xi1>
      %convert_element_type3A_182 = arith.extui %or3A_181 : vector<256x2048xi1> to vector<256x2048xi32>
      %reduce_sum3A_183 = arith.constant dense<0> : vector<2048xi32>
      %reduce_sum3A_184 = vector.multi_reduction <add>, %convert_element_type3A_182, %reduce_sum3A_183 [0] : vector<256x2048xi32> to vector<2048xi32>
      %broadcast_in_dim3A_185 = vector.shape_cast %reduce_sum3A_184 : vector<2048xi32> to vector<1x2048xi32>
      %add3A_186 = arith.addi %add3A_172, %broadcast_in_dim3A_185 : vector<1x2048xi32>
      %slice3A_187 = vector.extract_strided_slice %transpose3A {offsets = [1024, 0], sizes = [256, 1], strides = [1, 1]} : vector<2048x4xf32> to vector<256x1xf32>
      %gt3A_188 = vector.broadcast %slice3A_187 : vector<256x1xf32> to vector<256x2048xf32>
      %gt3A_189 = vector.broadcast %slice3A : vector<1x2048xf32> to vector<256x2048xf32>
      %gt3A_190 = arith.cmpf ogt, %gt3A_188, %gt3A_189 : vector<256x2048xf32>
      %eq3A_191 = vector.broadcast %slice3A_187 : vector<256x1xf32> to vector<256x2048xf32>
      %eq3A_192 = vector.broadcast %slice3A : vector<1x2048xf32> to vector<256x2048xf32>
      %eq3A_193 = arith.cmpf oeq, %eq3A_191, %eq3A_192 : vector<256x2048xf32>
      %and3A_194 = arith.andi %eq3A_193, %lt3A_116 : vector<256x2048xi1>
      %or3A_195 = arith.ori %gt3A_190, %and3A_194 : vector<256x2048xi1>
      %convert_element_type3A_196 = arith.extui %or3A_195 : vector<256x2048xi1> to vector<256x2048xi32>
      %reduce_sum3A_197 = arith.constant dense<0> : vector<2048xi32>
      %reduce_sum3A_198 = vector.multi_reduction <add>, %convert_element_type3A_196, %reduce_sum3A_197 [0] : vector<256x2048xi32> to vector<2048xi32>
      %broadcast_in_dim3A_199 = vector.shape_cast %reduce_sum3A_198 : vector<2048xi32> to vector<1x2048xi32>
      %add3A_200 = arith.addi %add3A_186, %broadcast_in_dim3A_199 : vector<1x2048xi32>
      %slice3A_201 = vector.extract_strided_slice %transpose3A {offsets = [1280, 0], sizes = [256, 1], strides = [1, 1]} : vector<2048x4xf32> to vector<256x1xf32>
      %gt3A_202 = vector.broadcast %slice3A_201 : vector<256x1xf32> to vector<256x2048xf32>
      %gt3A_203 = vector.broadcast %slice3A : vector<1x2048xf32> to vector<256x2048xf32>
      %gt3A_204 = arith.cmpf ogt, %gt3A_202, %gt3A_203 : vector<256x2048xf32>
      %eq3A_205 = vector.broadcast %slice3A_201 : vector<256x1xf32> to vector<256x2048xf32>
      %eq3A_206 = vector.broadcast %slice3A : vector<1x2048xf32> to vector<256x2048xf32>
      %eq3A_207 = arith.cmpf oeq, %eq3A_205, %eq3A_206 : vector<256x2048xf32>
      %and3A_208 = arith.andi %eq3A_207, %lt3A_121 : vector<256x2048xi1>
      %or3A_209 = arith.ori %gt3A_204, %and3A_208 : vector<256x2048xi1>
      %convert_element_type3A_210 = arith.extui %or3A_209 : vector<256x2048xi1> to vector<256x2048xi32>
      %reduce_sum3A_211 = arith.constant dense<0> : vector<2048xi32>
      %reduce_sum3A_212 = vector.multi_reduction <add>, %convert_element_type3A_210, %reduce_sum3A_211 [0] : vector<256x2048xi32> to vector<2048xi32>
      %broadcast_in_dim3A_213 = vector.shape_cast %reduce_sum3A_212 : vector<2048xi32> to vector<1x2048xi32>
      %add3A_214 = arith.addi %add3A_200, %broadcast_in_dim3A_213 : vector<1x2048xi32>
      %slice3A_215 = vector.extract_strided_slice %transpose3A {offsets = [1536, 0], sizes = [256, 1], strides = [1, 1]} : vector<2048x4xf32> to vector<256x1xf32>
      %gt3A_216 = vector.broadcast %slice3A_215 : vector<256x1xf32> to vector<256x2048xf32>
      %gt3A_217 = vector.broadcast %slice3A : vector<1x2048xf32> to vector<256x2048xf32>
      %gt3A_218 = arith.cmpf ogt, %gt3A_216, %gt3A_217 : vector<256x2048xf32>
      %eq3A_219 = vector.broadcast %slice3A_215 : vector<256x1xf32> to vector<256x2048xf32>
      %eq3A_220 = vector.broadcast %slice3A : vector<1x2048xf32> to vector<256x2048xf32>
      %eq3A_221 = arith.cmpf oeq, %eq3A_219, %eq3A_220 : vector<256x2048xf32>
      %and3A_222 = arith.andi %eq3A_221, %lt3A_126 : vector<256x2048xi1>
      %or3A_223 = arith.ori %gt3A_218, %and3A_222 : vector<256x2048xi1>
      %convert_element_type3A_224 = arith.extui %or3A_223 : vector<256x2048xi1> to vector<256x2048xi32>
      %reduce_sum3A_225 = arith.constant dense<0> : vector<2048xi32>
      %reduce_sum3A_226 = vector.multi_reduction <add>, %convert_element_type3A_224, %reduce_sum3A_225 [0] : vector<256x2048xi32> to vector<2048xi32>
      %broadcast_in_dim3A_227 = vector.shape_cast %reduce_sum3A_226 : vector<2048xi32> to vector<1x2048xi32>
      %add3A_228 = arith.addi %add3A_214, %broadcast_in_dim3A_227 : vector<1x2048xi32>
      %slice3A_229 = vector.extract_strided_slice %transpose3A {offsets = [1792, 0], sizes = [256, 1], strides = [1, 1]} : vector<2048x4xf32> to vector<256x1xf32>
      %gt3A_230 = vector.broadcast %slice3A_229 : vector<256x1xf32> to vector<256x2048xf32>
      %gt3A_231 = vector.broadcast %slice3A : vector<1x2048xf32> to vector<256x2048xf32>
      %gt3A_232 = arith.cmpf ogt, %gt3A_230, %gt3A_231 : vector<256x2048xf32>
      %eq3A_233 = vector.broadcast %slice3A_229 : vector<256x1xf32> to vector<256x2048xf32>
      %eq3A_234 = vector.broadcast %slice3A : vector<1x2048xf32> to vector<256x2048xf32>
      %eq3A_235 = arith.cmpf oeq, %eq3A_233, %eq3A_234 : vector<256x2048xf32>
      %and3A_236 = arith.andi %eq3A_235, %lt3A_131 : vector<256x2048xi1>
      %or3A_237 = arith.ori %gt3A_232, %and3A_236 : vector<256x2048xi1>
      %convert_element_type3A_238 = arith.extui %or3A_237 : vector<256x2048xi1> to vector<256x2048xi32>
      %reduce_sum3A_239 = arith.constant dense<0> : vector<2048xi32>
      %reduce_sum3A_240 = vector.multi_reduction <add>, %convert_element_type3A_238, %reduce_sum3A_239 [0] : vector<256x2048xi32> to vector<2048xi32>
      %broadcast_in_dim3A_241 = vector.shape_cast %reduce_sum3A_240 : vector<2048xi32> to vector<1x2048xi32>
      %add3A_242 = arith.addi %add3A_228, %broadcast_in_dim3A_241 : vector<1x2048xi32>
      %swap3A = arith.constant 0 : index
      %swap3A_243 = arith.constant 0 : index
      %swap3A_244 = vector.load %arg10[%swap3A, %swap3A_243] : memref<4x2048xi32, #tpu.memory_space<vmem>>, vector<1x2048xi32>
      tpu.vector_store %arg10[%swap3A, %swap3A_243], %add3A_242 {strides = array<i32>} : memref<4x2048xi32, #tpu.memory_space<vmem>>, vector<1x2048xi32>,
      %lt3A_245 = arith.constant 512 : i32
      %lt3A_246 = vector.broadcast %lt3A_245 : i32 to vector<1x2048xi32>
      %lt3A_247 = arith.cmpi slt, %add3A_242, %lt3A_246 : vector<1x2048xi32>
      %convert_element_type3A_248 = arith.extui %lt3A_247 : vector<1x2048xi1> to vector<1x2048xi32>
      %convert_element_type3A_249 = arith.sitofp %convert_element_type3A_248 : vector<1x2048xi32> to vector<1x2048xf32>
      %slice3A_250 = vector.extract_strided_slice %div3A_92 {offsets = [0, 0], sizes = [1, 2048], strides = [1, 1]} : vector<4x2048xf32> to vector<1x2048xf32>
      %add3A_251 = arith.addf %convert_element_type3A_249, %slice3A_250 : vector<1x2048xf32>
      %sub3A_252 = arith.subf %add3A_251, %slice3A_250 : vector<1x2048xf32>
      %swap3A_253 = arith.constant 0 : index
      %swap3A_254 = arith.constant 0 : index
      %swap3A_255 = vector.load %arg9[%swap3A_253, %swap3A_254] : memref<4x2048xf32, #tpu.memory_space<vmem>>, vector<1x2048xf32>
      tpu.vector_store %arg9[%swap3A_253, %swap3A_254], %sub3A_252 {strides = array<i32>} : memref<4x2048xf32, #tpu.memory_space<vmem>>, vector<1x2048xf32>,
      %slice3A_256 = vector.extract_strided_slice %mul3A_79 {offsets = [1, 0], sizes = [1, 2048], strides = [1, 1]} : vector<4x2048xf32> to vector<1x2048xf32>
      %broadcast_in_dim3A_257 = arith.constant 0 : i32
      %broadcast_in_dim3A_258 = vector.broadcast %broadcast_in_dim3A_257 : i32 to vector<1x2048xi32>
      %slice3A_259 = vector.extract_strided_slice %transpose3A {offsets = [0, 1], sizes = [256, 1], strides = [1, 1]} : vector<2048x4xf32> to vector<256x1xf32>
      %gt3A_260 = vector.broadcast %slice3A_259 : vector<256x1xf32> to vector<256x2048xf32>
      %gt3A_261 = vector.broadcast %slice3A_256 : vector<1x2048xf32> to vector<256x2048xf32>
      %gt3A_262 = arith.cmpf ogt, %gt3A_260, %gt3A_261 : vector<256x2048xf32>
      %eq3A_263 = vector.broadcast %slice3A_259 : vector<256x1xf32> to vector<256x2048xf32>
      %eq3A_264 = vector.broadcast %slice3A_256 : vector<1x2048xf32> to vector<256x2048xf32>
      %eq3A_265 = arith.cmpf oeq, %eq3A_263, %eq3A_264 : vector<256x2048xf32>
      %and3A_266 = arith.andi %eq3A_265, %lt3A : vector<256x2048xi1>
      %or3A_267 = arith.ori %gt3A_262, %and3A_266 : vector<256x2048xi1>
      %convert_element_type3A_268 = arith.extui %or3A_267 : vector<256x2048xi1> to vector<256x2048xi32>
      %reduce_sum3A_269 = arith.constant dense<0> : vector<2048xi32>
      %reduce_sum3A_270 = vector.multi_reduction <add>, %convert_element_type3A_268, %reduce_sum3A_269 [0] : vector<256x2048xi32> to vector<2048xi32>
      %broadcast_in_dim3A_271 = vector.shape_cast %reduce_sum3A_270 : vector<2048xi32> to vector<1x2048xi32>
      %add3A_272 = arith.addi %broadcast_in_dim3A_258, %broadcast_in_dim3A_271 : vector<1x2048xi32>
      %slice3A_273 = vector.extract_strided_slice %transpose3A {offsets = [256, 1], sizes = [256, 1], strides = [1, 1]} : vector<2048x4xf32> to vector<256x1xf32>
      %gt3A_274 = vector.broadcast %slice3A_273 : vector<256x1xf32> to vector<256x2048xf32>
      %gt3A_275 = vector.broadcast %slice3A_256 : vector<1x2048xf32> to vector<256x2048xf32>
      %gt3A_276 = arith.cmpf ogt, %gt3A_274, %gt3A_275 : vector<256x2048xf32>
      %eq3A_277 = vector.broadcast %slice3A_273 : vector<256x1xf32> to vector<256x2048xf32>
      %eq3A_278 = vector.broadcast %slice3A_256 : vector<1x2048xf32> to vector<256x2048xf32>
      %eq3A_279 = arith.cmpf oeq, %eq3A_277, %eq3A_278 : vector<256x2048xf32>
      %and3A_280 = arith.andi %eq3A_279, %lt3A_101 : vector<256x2048xi1>
      %or3A_281 = arith.ori %gt3A_276, %and3A_280 : vector<256x2048xi1>
      %convert_element_type3A_282 = arith.extui %or3A_281 : vector<256x2048xi1> to vector<256x2048xi32>
      %reduce_sum3A_283 = arith.constant dense<0> : vector<2048xi32>
      %reduce_sum3A_284 = vector.multi_reduction <add>, %convert_element_type3A_282, %reduce_sum3A_283 [0] : vector<256x2048xi32> to vector<2048xi32>
      %broadcast_in_dim3A_285 = vector.shape_cast %reduce_sum3A_284 : vector<2048xi32> to vector<1x2048xi32>
      %add3A_286 = arith.addi %add3A_272, %broadcast_in_dim3A_285 : vector<1x2048xi32>
      %slice3A_287 = vector.extract_strided_slice %transpose3A {offsets = [512, 1], sizes = [256, 1], strides = [1, 1]} : vector<2048x4xf32> to vector<256x1xf32>
      %gt3A_288 = vector.broadcast %slice3A_287 : vector<256x1xf32> to vector<256x2048xf32>
      %gt3A_289 = vector.broadcast %slice3A_256 : vector<1x2048xf32> to vector<256x2048xf32>
      %gt3A_290 = arith.cmpf ogt, %gt3A_288, %gt3A_289 : vector<256x2048xf32>
      %eq3A_291 = vector.broadcast %slice3A_287 : vector<256x1xf32> to vector<256x2048xf32>
      %eq3A_292 = vector.broadcast %slice3A_256 : vector<1x2048xf32> to vector<256x2048xf32>
      %eq3A_293 = arith.cmpf oeq, %eq3A_291, %eq3A_292 : vector<256x2048xf32>
      %and3A_294 = arith.andi %eq3A_293, %lt3A_106 : vector<256x2048xi1>
      %or3A_295 = arith.ori %gt3A_290, %and3A_294 : vector<256x2048xi1>
      %convert_element_type3A_296 = arith.extui %or3A_295 : vector<256x2048xi1> to vector<256x2048xi32>
      %reduce_sum3A_297 = arith.constant dense<0> : vector<2048xi32>
      %reduce_sum3A_298 = vector.multi_reduction <add>, %convert_element_type3A_296, %reduce_sum3A_297 [0] : vector<256x2048xi32> to vector<2048xi32>
      %broadcast_in_dim3A_299 = vector.shape_cast %reduce_sum3A_298 : vector<2048xi32> to vector<1x2048xi32>
      %add3A_300 = arith.addi %add3A_286, %broadcast_in_dim3A_299 : vector<1x2048xi32>
      %slice3A_301 = vector.extract_strided_slice %transpose3A {offsets = [768, 1], sizes = [256, 1], strides = [1, 1]} : vector<2048x4xf32> to vector<256x1xf32>
      %gt3A_302 = vector.broadcast %slice3A_301 : vector<256x1xf32> to vector<256x2048xf32>
      %gt3A_303 = vector.broadcast %slice3A_256 : vector<1x2048xf32> to vector<256x2048xf32>
      %gt3A_304 = arith.cmpf ogt, %gt3A_302, %gt3A_303 : vector<256x2048xf32>
      %eq3A_305 = vector.broadcast %slice3A_301 : vector<256x1xf32> to vector<256x2048xf32>
      %eq3A_306 = vector.broadcast %slice3A_256 : vector<1x2048xf32> to vector<256x2048xf32>
      %eq3A_307 = arith.cmpf oeq, %eq3A_305, %eq3A_306 : vector<256x2048xf32>
      %and3A_308 = arith.andi %eq3A_307, %lt3A_111 : vector<256x2048xi1>
      %or3A_309 = arith.ori %gt3A_304, %and3A_308 : vector<256x2048xi1>
      %convert_element_type3A_310 = arith.extui %or3A_309 : vector<256x2048xi1> to vector<256x2048xi32>
      %reduce_sum3A_311 = arith.constant dense<0> : vector<2048xi32>
      %reduce_sum3A_312 = vector.multi_reduction <add>, %convert_element_type3A_310, %reduce_sum3A_311 [0] : vector<256x2048xi32> to vector<2048xi32>
      %broadcast_in_dim3A_313 = vector.shape_cast %reduce_sum3A_312 : vector<2048xi32> to vector<1x2048xi32>
      %add3A_314 = arith.addi %add3A_300, %broadcast_in_dim3A_313 : vector<1x2048xi32>
      %slice3A_315 = vector.extract_strided_slice %transpose3A {offsets = [1024, 1], sizes = [256, 1], strides = [1, 1]} : vector<2048x4xf32> to vector<256x1xf32>
      %gt3A_316 = vector.broadcast %slice3A_315 : vector<256x1xf32> to vector<256x2048xf32>
      %gt3A_317 = vector.broadcast %slice3A_256 : vector<1x2048xf32> to vector<256x2048xf32>
      %gt3A_318 = arith.cmpf ogt, %gt3A_316, %gt3A_317 : vector<256x2048xf32>
      %eq3A_319 = vector.broadcast %slice3A_315 : vector<256x1xf32> to vector<256x2048xf32>
      %eq3A_320 = vector.broadcast %slice3A_256 : vector<1x2048xf32> to vector<256x2048xf32>
      %eq3A_321 = arith.cmpf oeq, %eq3A_319, %eq3A_320 : vector<256x2048xf32>
      %and3A_322 = arith.andi %eq3A_321, %lt3A_116 : vector<256x2048xi1>
      %or3A_323 = arith.ori %gt3A_318, %and3A_322 : vector<256x2048xi1>
      %convert_element_type3A_324 = arith.extui %or3A_323 : vector<256x2048xi1> to vector<256x2048xi32>
      %reduce_sum3A_325 = arith.constant dense<0> : vector<2048xi32>
      %reduce_sum3A_326 = vector.multi_reduction <add>, %convert_element_type3A_324, %reduce_sum3A_325 [0] : vector<256x2048xi32> to vector<2048xi32>
      %broadcast_in_dim3A_327 = vector.shape_cast %reduce_sum3A_326 : vector<2048xi32> to vector<1x2048xi32>
      %add3A_328 = arith.addi %add3A_314, %broadcast_in_dim3A_327 : vector<1x2048xi32>
      %slice3A_329 = vector.extract_strided_slice %transpose3A {offsets = [1280, 1], sizes = [256, 1], strides = [1, 1]} : vector<2048x4xf32> to vector<256x1xf32>
      %gt3A_330 = vector.broadcast %slice3A_329 : vector<256x1xf32> to vector<256x2048xf32>
      %gt3A_331 = vector.broadcast %slice3A_256 : vector<1x2048xf32> to vector<256x2048xf32>
      %gt3A_332 = arith.cmpf ogt, %gt3A_330, %gt3A_331 : vector<256x2048xf32>
      %eq3A_333 = vector.broadcast %slice3A_329 : vector<256x1xf32> to vector<256x2048xf32>
      %eq3A_334 = vector.broadcast %slice3A_256 : vector<1x2048xf32> to vector<256x2048xf32>
      %eq3A_335 = arith.cmpf oeq, %eq3A_333, %eq3A_334 : vector<256x2048xf32>
      %and3A_336 = arith.andi %eq3A_335, %lt3A_121 : vector<256x2048xi1>
      %or3A_337 = arith.ori %gt3A_332, %and3A_336 : vector<256x2048xi1>
      %convert_element_type3A_338 = arith.extui %or3A_337 : vector<256x2048xi1> to vector<256x2048xi32>
      %reduce_sum3A_339 = arith.constant dense<0> : vector<2048xi32>
      %reduce_sum3A_340 = vector.multi_reduction <add>, %convert_element_type3A_338, %reduce_sum3A_339 [0] : vector<256x2048xi32> to vector<2048xi32>
      %broadcast_in_dim3A_341 = vector.shape_cast %reduce_sum3A_340 : vector<2048xi32> to vector<1x2048xi32>
      %add3A_342 = arith.addi %add3A_328, %broadcast_in_dim3A_341 : vector<1x2048xi32>
      %slice3A_343 = vector.extract_strided_slice %transpose3A {offsets = [1536, 1], sizes = [256, 1], strides = [1, 1]} : vector<2048x4xf32> to vector<256x1xf32>
      %gt3A_344 = vector.broadcast %slice3A_343 : vector<256x1xf32> to vector<256x2048xf32>
      %gt3A_345 = vector.broadcast %slice3A_256 : vector<1x2048xf32> to vector<256x2048xf32>
      %gt3A_346 = arith.cmpf ogt, %gt3A_344, %gt3A_345 : vector<256x2048xf32>
      %eq3A_347 = vector.broadcast %slice3A_343 : vector<256x1xf32> to vector<256x2048xf32>
      %eq3A_348 = vector.broadcast %slice3A_256 : vector<1x2048xf32> to vector<256x2048xf32>
      %eq3A_349 = arith.cmpf oeq, %eq3A_347, %eq3A_348 : vector<256x2048xf32>
      %and3A_350 = arith.andi %eq3A_349, %lt3A_126 : vector<256x2048xi1>
      %or3A_351 = arith.ori %gt3A_346, %and3A_350 : vector<256x2048xi1>
      %convert_element_type3A_352 = arith.extui %or3A_351 : vector<256x2048xi1> to vector<256x2048xi32>
      %reduce_sum3A_353 = arith.constant dense<0> : vector<2048xi32>
      %reduce_sum3A_354 = vector.multi_reduction <add>, %convert_element_type3A_352, %reduce_sum3A_353 [0] : vector<256x2048xi32> to vector<2048xi32>
      %broadcast_in_dim3A_355 = vector.shape_cast %reduce_sum3A_354 : vector<2048xi32> to vector<1x2048xi32>
      %add3A_356 = arith.addi %add3A_342, %broadcast_in_dim3A_355 : vector<1x2048xi32>
      %slice3A_357 = vector.extract_strided_slice %transpose3A {offsets = [1792, 1], sizes = [256, 1], strides = [1, 1]} : vector<2048x4xf32> to vector<256x1xf32>
      %gt3A_358 = vector.broadcast %slice3A_357 : vector<256x1xf32> to vector<256x2048xf32>
      %gt3A_359 = vector.broadcast %slice3A_256 : vector<1x2048xf32> to vector<256x2048xf32>
      %gt3A_360 = arith.cmpf ogt, %gt3A_358, %gt3A_359 : vector<256x2048xf32>
      %eq3A_361 = vector.broadcast %slice3A_357 : vector<256x1xf32> to vector<256x2048xf32>
      %eq3A_362 = vector.broadcast %slice3A_256 : vector<1x2048xf32> to vector<256x2048xf32>
      %eq3A_363 = arith.cmpf oeq, %eq3A_361, %eq3A_362 : vector<256x2048xf32>
      %and3A_364 = arith.andi %eq3A_363, %lt3A_131 : vector<256x2048xi1>
      %or3A_365 = arith.ori %gt3A_360, %and3A_364 : vector<256x2048xi1>
      %convert_element_type3A_366 = arith.extui %or3A_365 : vector<256x2048xi1> to vector<256x2048xi32>
      %reduce_sum3A_367 = arith.constant dense<0> : vector<2048xi32>
      %reduce_sum3A_368 = vector.multi_reduction <add>, %convert_element_type3A_366, %reduce_sum3A_367 [0] : vector<256x2048xi32> to vector<2048xi32>
      %broadcast_in_dim3A_369 = vector.shape_cast %reduce_sum3A_368 : vector<2048xi32> to vector<1x2048xi32>
      %add3A_370 = arith.addi %add3A_356, %broadcast_in_dim3A_369 : vector<1x2048xi32>
      %swap3A_371 = arith.constant 1 : index
      %swap3A_372 = arith.constant 0 : index
      %swap3A_373 = vector.load %arg10[%swap3A_371, %swap3A_372] : memref<4x2048xi32, #tpu.memory_space<vmem>>, vector<1x2048xi32>
      tpu.vector_store %arg10[%swap3A_371, %swap3A_372], %add3A_370 {strides = array<i32>} : memref<4x2048xi32, #tpu.memory_space<vmem>>, vector<1x2048xi32>,
      %lt3A_374 = arith.constant 512 : i32
      %lt3A_375 = vector.broadcast %lt3A_374 : i32 to vector<1x2048xi32>
      %lt3A_376 = arith.cmpi slt, %add3A_370, %lt3A_375 : vector<1x2048xi32>
      %convert_element_type3A_377 = arith.extui %lt3A_376 : vector<1x2048xi1> to vector<1x2048xi32>
      %convert_element_type3A_378 = arith.sitofp %convert_element_type3A_377 : vector<1x2048xi32> to vector<1x2048xf32>
      %slice3A_379 = vector.extract_strided_slice %div3A_92 {offsets = [1, 0], sizes = [1, 2048], strides = [1, 1]} : vector<4x2048xf32> to vector<1x2048xf32>
      %add3A_380 = arith.addf %convert_element_type3A_378, %slice3A_379 : vector<1x2048xf32>
      %sub3A_381 = arith.subf %add3A_380, %slice3A_379 : vector<1x2048xf32>
      %swap3A_382 = arith.constant 1 : index
      %swap3A_383 = arith.constant 0 : index
      %swap3A_384 = vector.load %arg9[%swap3A_382, %swap3A_383] : memref<4x2048xf32, #tpu.memory_space<vmem>>, vector<1x2048xf32>
      tpu.vector_store %arg9[%swap3A_382, %swap3A_383], %sub3A_381 {strides = array<i32>} : memref<4x2048xf32, #tpu.memory_space<vmem>>, vector<1x2048xf32>,
      %slice3A_385 = vector.extract_strided_slice %mul3A_79 {offsets = [2, 0], sizes = [1, 2048], strides = [1, 1]} : vector<4x2048xf32> to vector<1x2048xf32>
      %broadcast_in_dim3A_386 = arith.constant 0 : i32
      %broadcast_in_dim3A_387 = vector.broadcast %broadcast_in_dim3A_386 : i32 to vector<1x2048xi32>
      %slice3A_388 = vector.extract_strided_slice %transpose3A {offsets = [0, 2], sizes = [256, 1], strides = [1, 1]} : vector<2048x4xf32> to vector<256x1xf32>
      %gt3A_389 = vector.broadcast %slice3A_388 : vector<256x1xf32> to vector<256x2048xf32>
      %gt3A_390 = vector.broadcast %slice3A_385 : vector<1x2048xf32> to vector<256x2048xf32>
      %gt3A_391 = arith.cmpf ogt, %gt3A_389, %gt3A_390 : vector<256x2048xf32>
      %eq3A_392 = vector.broadcast %slice3A_388 : vector<256x1xf32> to vector<256x2048xf32>
      %eq3A_393 = vector.broadcast %slice3A_385 : vector<1x2048xf32> to vector<256x2048xf32>
      %eq3A_394 = arith.cmpf oeq, %eq3A_392, %eq3A_393 : vector<256x2048xf32>
      %and3A_395 = arith.andi %eq3A_394, %lt3A : vector<256x2048xi1>
      %or3A_396 = arith.ori %gt3A_391, %and3A_395 : vector<256x2048xi1>
      %convert_element_type3A_397 = arith.extui %or3A_396 : vector<256x2048xi1> to vector<256x2048xi32>
      %reduce_sum3A_398 = arith.constant dense<0> : vector<2048xi32>
      %reduce_sum3A_399 = vector.multi_reduction <add>, %convert_element_type3A_397, %reduce_sum3A_398 [0] : vector<256x2048xi32> to vector<2048xi32>
      %broadcast_in_dim3A_400 = vector.shape_cast %reduce_sum3A_399 : vector<2048xi32> to vector<1x2048xi32>
      %add3A_401 = arith.addi %broadcast_in_dim3A_387, %broadcast_in_dim3A_400 : vector<1x2048xi32>
      %slice3A_402 = vector.extract_strided_slice %transpose3A {offsets = [256, 2], sizes = [256, 1], strides = [1, 1]} : vector<2048x4xf32> to vector<256x1xf32>
      %gt3A_403 = vector.broadcast %slice3A_402 : vector<256x1xf32> to vector<256x2048xf32>
      %gt3A_404 = vector.broadcast %slice3A_385 : vector<1x2048xf32> to vector<256x2048xf32>
      %gt3A_405 = arith.cmpf ogt, %gt3A_403, %gt3A_404 : vector<256x2048xf32>
      %eq3A_406 = vector.broadcast %slice3A_402 : vector<256x1xf32> to vector<256x2048xf32>
      %eq3A_407 = vector.broadcast %slice3A_385 : vector<1x2048xf32> to vector<256x2048xf32>
      %eq3A_408 = arith.cmpf oeq, %eq3A_406, %eq3A_407 : vector<256x2048xf32>
      %and3A_409 = arith.andi %eq3A_408, %lt3A_101 : vector<256x2048xi1>
      %or3A_410 = arith.ori %gt3A_405, %and3A_409 : vector<256x2048xi1>
      %convert_element_type3A_411 = arith.extui %or3A_410 : vector<256x2048xi1> to vector<256x2048xi32>
      %reduce_sum3A_412 = arith.constant dense<0> : vector<2048xi32>
      %reduce_sum3A_413 = vector.multi_reduction <add>, %convert_element_type3A_411, %reduce_sum3A_412 [0] : vector<256x2048xi32> to vector<2048xi32>
      %broadcast_in_dim3A_414 = vector.shape_cast %reduce_sum3A_413 : vector<2048xi32> to vector<1x2048xi32>
      %add3A_415 = arith.addi %add3A_401, %broadcast_in_dim3A_414 : vector<1x2048xi32>
      %slice3A_416 = vector.extract_strided_slice %transpose3A {offsets = [512, 2], sizes = [256, 1], strides = [1, 1]} : vector<2048x4xf32> to vector<256x1xf32>
      %gt3A_417 = vector.broadcast %slice3A_416 : vector<256x1xf32> to vector<256x2048xf32>
      %gt3A_418 = vector.broadcast %slice3A_385 : vector<1x2048xf32> to vector<256x2048xf32>
      %gt3A_419 = arith.cmpf ogt, %gt3A_417, %gt3A_418 : vector<256x2048xf32>
      %eq3A_420 = vector.broadcast %slice3A_416 : vector<256x1xf32> to vector<256x2048xf32>
      %eq3A_421 = vector.broadcast %slice3A_385 : vector<1x2048xf32> to vector<256x2048xf32>
      %eq3A_422 = arith.cmpf oeq, %eq3A_420, %eq3A_421 : vector<256x2048xf32>
      %and3A_423 = arith.andi %eq3A_422, %lt3A_106 : vector<256x2048xi1>
      %or3A_424 = arith.ori %gt3A_419, %and3A_423 : vector<256x2048xi1>
      %convert_element_type3A_425 = arith.extui %or3A_424 : vector<256x2048xi1> to vector<256x2048xi32>
      %reduce_sum3A_426 = arith.constant dense<0> : vector<2048xi32>
      %reduce_sum3A_427 = vector.multi_reduction <add>, %convert_element_type3A_425, %reduce_sum3A_426 [0] : vector<256x2048xi32> to vector<2048xi32>
      %broadcast_in_dim3A_428 = vector.shape_cast %reduce_sum3A_427 : vector<2048xi32> to vector<1x2048xi32>
      %add3A_429 = arith.addi %add3A_415, %broadcast_in_dim3A_428 : vector<1x2048xi32>
      %slice3A_430 = vector.extract_strided_slice %transpose3A {offsets = [768, 2], sizes = [256, 1], strides = [1, 1]} : vector<2048x4xf32> to vector<256x1xf32>
      %gt3A_431 = vector.broadcast %slice3A_430 : vector<256x1xf32> to vector<256x2048xf32>
      %gt3A_432 = vector.broadcast %slice3A_385 : vector<1x2048xf32> to vector<256x2048xf32>
      %gt3A_433 = arith.cmpf ogt, %gt3A_431, %gt3A_432 : vector<256x2048xf32>
      %eq3A_434 = vector.broadcast %slice3A_430 : vector<256x1xf32> to vector<256x2048xf32>
      %eq3A_435 = vector.broadcast %slice3A_385 : vector<1x2048xf32> to vector<256x2048xf32>
      %eq3A_436 = arith.cmpf oeq, %eq3A_434, %eq3A_435 : vector<256x2048xf32>
      %and3A_437 = arith.andi %eq3A_436, %lt3A_111 : vector<256x2048xi1>
      %or3A_438 = arith.ori %gt3A_433, %and3A_437 : vector<256x2048xi1>
      %convert_element_type3A_439 = arith.extui %or3A_438 : vector<256x2048xi1> to vector<256x2048xi32>
      %reduce_sum3A_440 = arith.constant dense<0> : vector<2048xi32>
      %reduce_sum3A_441 = vector.multi_reduction <add>, %convert_element_type3A_439, %reduce_sum3A_440 [0] : vector<256x2048xi32> to vector<2048xi32>
      %broadcast_in_dim3A_442 = vector.shape_cast %reduce_sum3A_441 : vector<2048xi32> to vector<1x2048xi32>
      %add3A_443 = arith.addi %add3A_429, %broadcast_in_dim3A_442 : vector<1x2048xi32>
      %slice3A_444 = vector.extract_strided_slice %transpose3A {offsets = [1024, 2], sizes = [256, 1], strides = [1, 1]} : vector<2048x4xf32> to vector<256x1xf32>
      %gt3A_445 = vector.broadcast %slice3A_444 : vector<256x1xf32> to vector<256x2048xf32>
      %gt3A_446 = vector.broadcast %slice3A_385 : vector<1x2048xf32> to vector<256x2048xf32>
      %gt3A_447 = arith.cmpf ogt, %gt3A_445, %gt3A_446 : vector<256x2048xf32>
      %eq3A_448 = vector.broadcast %slice3A_444 : vector<256x1xf32> to vector<256x2048xf32>
      %eq3A_449 = vector.broadcast %slice3A_385 : vector<1x2048xf32> to vector<256x2048xf32>
      %eq3A_450 = arith.cmpf oeq, %eq3A_448, %eq3A_449 : vector<256x2048xf32>
      %and3A_451 = arith.andi %eq3A_450, %lt3A_116 : vector<256x2048xi1>
      %or3A_452 = arith.ori %gt3A_447, %and3A_451 : vector<256x2048xi1>
      %convert_element_type3A_453 = arith.extui %or3A_452 : vector<256x2048xi1> to vector<256x2048xi32>
      %reduce_sum3A_454 = arith.constant dense<0> : vector<2048xi32>
      %reduce_sum3A_455 = vector.multi_reduction <add>, %convert_element_type3A_453, %reduce_sum3A_454 [0] : vector<256x2048xi32> to vector<2048xi32>
      %broadcast_in_dim3A_456 = vector.shape_cast %reduce_sum3A_455 : vector<2048xi32> to vector<1x2048xi32>
      %add3A_457 = arith.addi %add3A_443, %broadcast_in_dim3A_456 : vector<1x2048xi32>
      %slice3A_458 = vector.extract_strided_slice %transpose3A {offsets = [1280, 2], sizes = [256, 1], strides = [1, 1]} : vector<2048x4xf32> to vector<256x1xf32>
      %gt3A_459 = vector.broadcast %slice3A_458 : vector<256x1xf32> to vector<256x2048xf32>
      %gt3A_460 = vector.broadcast %slice3A_385 : vector<1x2048xf32> to vector<256x2048xf32>
      %gt3A_461 = arith.cmpf ogt, %gt3A_459, %gt3A_460 : vector<256x2048xf32>
      %eq3A_462 = vector.broadcast %slice3A_458 : vector<256x1xf32> to vector<256x2048xf32>
      %eq3A_463 = vector.broadcast %slice3A_385 : vector<1x2048xf32> to vector<256x2048xf32>
      %eq3A_464 = arith.cmpf oeq, %eq3A_462, %eq3A_463 : vector<256x2048xf32>
      %and3A_465 = arith.andi %eq3A_464, %lt3A_121 : vector<256x2048xi1>
      %or3A_466 = arith.ori %gt3A_461, %and3A_465 : vector<256x2048xi1>
      %convert_element_type3A_467 = arith.extui %or3A_466 : vector<256x2048xi1> to vector<256x2048xi32>
      %reduce_sum3A_468 = arith.constant dense<0> : vector<2048xi32>
      %reduce_sum3A_469 = vector.multi_reduction <add>, %convert_element_type3A_467, %reduce_sum3A_468 [0] : vector<256x2048xi32> to vector<2048xi32>
      %broadcast_in_dim3A_470 = vector.shape_cast %reduce_sum3A_469 : vector<2048xi32> to vector<1x2048xi32>
      %add3A_471 = arith.addi %add3A_457, %broadcast_in_dim3A_470 : vector<1x2048xi32>
      %slice3A_472 = vector.extract_strided_slice %transpose3A {offsets = [1536, 2], sizes = [256, 1], strides = [1, 1]} : vector<2048x4xf32> to vector<256x1xf32>
      %gt3A_473 = vector.broadcast %slice3A_472 : vector<256x1xf32> to vector<256x2048xf32>
      %gt3A_474 = vector.broadcast %slice3A_385 : vector<1x2048xf32> to vector<256x2048xf32>
      %gt3A_475 = arith.cmpf ogt, %gt3A_473, %gt3A_474 : vector<256x2048xf32>
      %eq3A_476 = vector.broadcast %slice3A_472 : vector<256x1xf32> to vector<256x2048xf32>
      %eq3A_477 = vector.broadcast %slice3A_385 : vector<1x2048xf32> to vector<256x2048xf32>
      %eq3A_478 = arith.cmpf oeq, %eq3A_476, %eq3A_477 : vector<256x2048xf32>
      %and3A_479 = arith.andi %eq3A_478, %lt3A_126 : vector<256x2048xi1>
      %or3A_480 = arith.ori %gt3A_475, %and3A_479 : vector<256x2048xi1>
      %convert_element_type3A_481 = arith.extui %or3A_480 : vector<256x2048xi1> to vector<256x2048xi32>
      %reduce_sum3A_482 = arith.constant dense<0> : vector<2048xi32>
      %reduce_sum3A_483 = vector.multi_reduction <add>, %convert_element_type3A_481, %reduce_sum3A_482 [0] : vector<256x2048xi32> to vector<2048xi32>
      %broadcast_in_dim3A_484 = vector.shape_cast %reduce_sum3A_483 : vector<2048xi32> to vector<1x2048xi32>
      %add3A_485 = arith.addi %add3A_471, %broadcast_in_dim3A_484 : vector<1x2048xi32>
      %slice3A_486 = vector.extract_strided_slice %transpose3A {offsets = [1792, 2], sizes = [256, 1], strides = [1, 1]} : vector<2048x4xf32> to vector<256x1xf32>
      %gt3A_487 = vector.broadcast %slice3A_486 : vector<256x1xf32> to vector<256x2048xf32>
      %gt3A_488 = vector.broadcast %slice3A_385 : vector<1x2048xf32> to vector<256x2048xf32>
      %gt3A_489 = arith.cmpf ogt, %gt3A_487, %gt3A_488 : vector<256x2048xf32>
      %eq3A_490 = vector.broadcast %slice3A_486 : vector<256x1xf32> to vector<256x2048xf32>
      %eq3A_491 = vector.broadcast %slice3A_385 : vector<1x2048xf32> to vector<256x2048xf32>
      %eq3A_492 = arith.cmpf oeq, %eq3A_490, %eq3A_491 : vector<256x2048xf32>
      %and3A_493 = arith.andi %eq3A_492, %lt3A_131 : vector<256x2048xi1>
      %or3A_494 = arith.ori %gt3A_489, %and3A_493 : vector<256x2048xi1>
      %convert_element_type3A_495 = arith.extui %or3A_494 : vector<256x2048xi1> to vector<256x2048xi32>
      %reduce_sum3A_496 = arith.constant dense<0> : vector<2048xi32>
      %reduce_sum3A_497 = vector.multi_reduction <add>, %convert_element_type3A_495, %reduce_sum3A_496 [0] : vector<256x2048xi32> to vector<2048xi32>
      %broadcast_in_dim3A_498 = vector.shape_cast %reduce_sum3A_497 : vector<2048xi32> to vector<1x2048xi32>
      %add3A_499 = arith.addi %add3A_485, %broadcast_in_dim3A_498 : vector<1x2048xi32>
      %swap3A_500 = arith.constant 2 : index
      %swap3A_501 = arith.constant 0 : index
      %swap3A_502 = vector.load %arg10[%swap3A_500, %swap3A_501] : memref<4x2048xi32, #tpu.memory_space<vmem>>, vector<1x2048xi32>
      tpu.vector_store %arg10[%swap3A_500, %swap3A_501], %add3A_499 {strides = array<i32>} : memref<4x2048xi32, #tpu.memory_space<vmem>>, vector<1x2048xi32>,
      %lt3A_503 = arith.constant 512 : i32
      %lt3A_504 = vector.broadcast %lt3A_503 : i32 to vector<1x2048xi32>
      %lt3A_505 = arith.cmpi slt, %add3A_499, %lt3A_504 : vector<1x2048xi32>
      %convert_element_type3A_506 = arith.extui %lt3A_505 : vector<1x2048xi1> to vector<1x2048xi32>
      %convert_element_type3A_507 = arith.sitofp %convert_element_type3A_506 : vector<1x2048xi32> to vector<1x2048xf32>
      %slice3A_508 = vector.extract_strided_slice %div3A_92 {offsets = [2, 0], sizes = [1, 2048], strides = [1, 1]} : vector<4x2048xf32> to vector<1x2048xf32>
      %add3A_509 = arith.addf %convert_element_type3A_507, %slice3A_508 : vector<1x2048xf32>
      %sub3A_510 = arith.subf %add3A_509, %slice3A_508 : vector<1x2048xf32>
      %swap3A_511 = arith.constant 2 : index
      %swap3A_512 = arith.constant 0 : index
      %swap3A_513 = vector.load %arg9[%swap3A_511, %swap3A_512] : memref<4x2048xf32, #tpu.memory_space<vmem>>, vector<1x2048xf32>
      tpu.vector_store %arg9[%swap3A_511, %swap3A_512], %sub3A_510 {strides = array<i32>} : memref<4x2048xf32, #tpu.memory_space<vmem>>, vector<1x2048xf32>,
      %slice3A_514 = vector.extract_strided_slice %mul3A_79 {offsets = [3, 0], sizes = [1, 2048], strides = [1, 1]} : vector<4x2048xf32> to vector<1x2048xf32>
      %broadcast_in_dim3A_515 = arith.constant 0 : i32
      %broadcast_in_dim3A_516 = vector.broadcast %broadcast_in_dim3A_515 : i32 to vector<1x2048xi32>
      %slice3A_517 = vector.extract_strided_slice %transpose3A {offsets = [0, 3], sizes = [256, 1], strides = [1, 1]} : vector<2048x4xf32> to vector<256x1xf32>
      %gt3A_518 = vector.broadcast %slice3A_517 : vector<256x1xf32> to vector<256x2048xf32>
      %gt3A_519 = vector.broadcast %slice3A_514 : vector<1x2048xf32> to vector<256x2048xf32>
      %gt3A_520 = arith.cmpf ogt, %gt3A_518, %gt3A_519 : vector<256x2048xf32>
      %eq3A_521 = vector.broadcast %slice3A_517 : vector<256x1xf32> to vector<256x2048xf32>
      %eq3A_522 = vector.broadcast %slice3A_514 : vector<1x2048xf32> to vector<256x2048xf32>
      %eq3A_523 = arith.cmpf oeq, %eq3A_521, %eq3A_522 : vector<256x2048xf32>
      %and3A_524 = arith.andi %eq3A_523, %lt3A : vector<256x2048xi1>
      %or3A_525 = arith.ori %gt3A_520, %and3A_524 : vector<256x2048xi1>
      %convert_element_type3A_526 = arith.extui %or3A_525 : vector<256x2048xi1> to vector<256x2048xi32>
      %reduce_sum3A_527 = arith.constant dense<0> : vector<2048xi32>
      %reduce_sum3A_528 = vector.multi_reduction <add>, %convert_element_type3A_526, %reduce_sum3A_527 [0] : vector<256x2048xi32> to vector<2048xi32>
      %broadcast_in_dim3A_529 = vector.shape_cast %reduce_sum3A_528 : vector<2048xi32> to vector<1x2048xi32>
      %add3A_530 = arith.addi %broadcast_in_dim3A_516, %broadcast_in_dim3A_529 : vector<1x2048xi32>
      %slice3A_531 = vector.extract_strided_slice %transpose3A {offsets = [256, 3], sizes = [256, 1], strides = [1, 1]} : vector<2048x4xf32> to vector<256x1xf32>
      %gt3A_532 = vector.broadcast %slice3A_531 : vector<256x1xf32> to vector<256x2048xf32>
      %gt3A_533 = vector.broadcast %slice3A_514 : vector<1x2048xf32> to vector<256x2048xf32>
      %gt3A_534 = arith.cmpf ogt, %gt3A_532, %gt3A_533 : vector<256x2048xf32>
      %eq3A_535 = vector.broadcast %slice3A_531 : vector<256x1xf32> to vector<256x2048xf32>
      %eq3A_536 = vector.broadcast %slice3A_514 : vector<1x2048xf32> to vector<256x2048xf32>
      %eq3A_537 = arith.cmpf oeq, %eq3A_535, %eq3A_536 : vector<256x2048xf32>
      %and3A_538 = arith.andi %eq3A_537, %lt3A_101 : vector<256x2048xi1>
      %or3A_539 = arith.ori %gt3A_534, %and3A_538 : vector<256x2048xi1>
      %convert_element_type3A_540 = arith.extui %or3A_539 : vector<256x2048xi1> to vector<256x2048xi32>
      %reduce_sum3A_541 = arith.constant dense<0> : vector<2048xi32>
      %reduce_sum3A_542 = vector.multi_reduction <add>, %convert_element_type3A_540, %reduce_sum3A_541 [0] : vector<256x2048xi32> to vector<2048xi32>
      %broadcast_in_dim3A_543 = vector.shape_cast %reduce_sum3A_542 : vector<2048xi32> to vector<1x2048xi32>
      %add3A_544 = arith.addi %add3A_530, %broadcast_in_dim3A_543 : vector<1x2048xi32>
      %slice3A_545 = vector.extract_strided_slice %transpose3A {offsets = [512, 3], sizes = [256, 1], strides = [1, 1]} : vector<2048x4xf32> to vector<256x1xf32>
      %gt3A_546 = vector.broadcast %slice3A_545 : vector<256x1xf32> to vector<256x2048xf32>
      %gt3A_547 = vector.broadcast %slice3A_514 : vector<1x2048xf32> to vector<256x2048xf32>
      %gt3A_548 = arith.cmpf ogt, %gt3A_546, %gt3A_547 : vector<256x2048xf32>
      %eq3A_549 = vector.broadcast %slice3A_545 : vector<256x1xf32> to vector<256x2048xf32>
      %eq3A_550 = vector.broadcast %slice3A_514 : vector<1x2048xf32> to vector<256x2048xf32>
      %eq3A_551 = arith.cmpf oeq, %eq3A_549, %eq3A_550 : vector<256x2048xf32>
      %and3A_552 = arith.andi %eq3A_551, %lt3A_106 : vector<256x2048xi1>
      %or3A_553 = arith.ori %gt3A_548, %and3A_552 : vector<256x2048xi1>
      %convert_element_type3A_554 = arith.extui %or3A_553 : vector<256x2048xi1> to vector<256x2048xi32>
      %reduce_sum3A_555 = arith.constant dense<0> : vector<2048xi32>
      %reduce_sum3A_556 = vector.multi_reduction <add>, %convert_element_type3A_554, %reduce_sum3A_555 [0] : vector<256x2048xi32> to vector<2048xi32>
      %broadcast_in_dim3A_557 = vector.shape_cast %reduce_sum3A_556 : vector<2048xi32> to vector<1x2048xi32>
      %add3A_558 = arith.addi %add3A_544, %broadcast_in_dim3A_557 : vector<1x2048xi32>
      %slice3A_559 = vector.extract_strided_slice %transpose3A {offsets = [768, 3], sizes = [256, 1], strides = [1, 1]} : vector<2048x4xf32> to vector<256x1xf32>
      %gt3A_560 = vector.broadcast %slice3A_559 : vector<256x1xf32> to vector<256x2048xf32>
      %gt3A_561 = vector.broadcast %slice3A_514 : vector<1x2048xf32> to vector<256x2048xf32>
      %gt3A_562 = arith.cmpf ogt, %gt3A_560, %gt3A_561 : vector<256x2048xf32>
      %eq3A_563 = vector.broadcast %slice3A_559 : vector<256x1xf32> to vector<256x2048xf32>
      %eq3A_564 = vector.broadcast %slice3A_514 : vector<1x2048xf32> to vector<256x2048xf32>
      %eq3A_565 = arith.cmpf oeq, %eq3A_563, %eq3A_564 : vector<256x2048xf32>
      %and3A_566 = arith.andi %eq3A_565, %lt3A_111 : vector<256x2048xi1>
      %or3A_567 = arith.ori %gt3A_562, %and3A_566 : vector<256x2048xi1>
      %convert_element_type3A_568 = arith.extui %or3A_567 : vector<256x2048xi1> to vector<256x2048xi32>
      %reduce_sum3A_569 = arith.constant dense<0> : vector<2048xi32>
      %reduce_sum3A_570 = vector.multi_reduction <add>, %convert_element_type3A_568, %reduce_sum3A_569 [0] : vector<256x2048xi32> to vector<2048xi32>
      %broadcast_in_dim3A_571 = vector.shape_cast %reduce_sum3A_570 : vector<2048xi32> to vector<1x2048xi32>
      %add3A_572 = arith.addi %add3A_558, %broadcast_in_dim3A_571 : vector<1x2048xi32>
      %slice3A_573 = vector.extract_strided_slice %transpose3A {offsets = [1024, 3], sizes = [256, 1], strides = [1, 1]} : vector<2048x4xf32> to vector<256x1xf32>
      %gt3A_574 = vector.broadcast %slice3A_573 : vector<256x1xf32> to vector<256x2048xf32>
      %gt3A_575 = vector.broadcast %slice3A_514 : vector<1x2048xf32> to vector<256x2048xf32>
      %gt3A_576 = arith.cmpf ogt, %gt3A_574, %gt3A_575 : vector<256x2048xf32>
      %eq3A_577 = vector.broadcast %slice3A_573 : vector<256x1xf32> to vector<256x2048xf32>
      %eq3A_578 = vector.broadcast %slice3A_514 : vector<1x2048xf32> to vector<256x2048xf32>
      %eq3A_579 = arith.cmpf oeq, %eq3A_577, %eq3A_578 : vector<256x2048xf32>
      %and3A_580 = arith.andi %eq3A_579, %lt3A_116 : vector<256x2048xi1>
      %or3A_581 = arith.ori %gt3A_576, %and3A_580 : vector<256x2048xi1>
      %convert_element_type3A_582 = arith.extui %or3A_581 : vector<256x2048xi1> to vector<256x2048xi32>
      %reduce_sum3A_583 = arith.constant dense<0> : vector<2048xi32>
      %reduce_sum3A_584 = vector.multi_reduction <add>, %convert_element_type3A_582, %reduce_sum3A_583 [0] : vector<256x2048xi32> to vector<2048xi32>
      %broadcast_in_dim3A_585 = vector.shape_cast %reduce_sum3A_584 : vector<2048xi32> to vector<1x2048xi32>
      %add3A_586 = arith.addi %add3A_572, %broadcast_in_dim3A_585 : vector<1x2048xi32>
      %slice3A_587 = vector.extract_strided_slice %transpose3A {offsets = [1280, 3], sizes = [256, 1], strides = [1, 1]} : vector<2048x4xf32> to vector<256x1xf32>
      %gt3A_588 = vector.broadcast %slice3A_587 : vector<256x1xf32> to vector<256x2048xf32>
      %gt3A_589 = vector.broadcast %slice3A_514 : vector<1x2048xf32> to vector<256x2048xf32>
      %gt3A_590 = arith.cmpf ogt, %gt3A_588, %gt3A_589 : vector<256x2048xf32>
      %eq3A_591 = vector.broadcast %slice3A_587 : vector<256x1xf32> to vector<256x2048xf32>
      %eq3A_592 = vector.broadcast %slice3A_514 : vector<1x2048xf32> to vector<256x2048xf32>
      %eq3A_593 = arith.cmpf oeq, %eq3A_591, %eq3A_592 : vector<256x2048xf32>
      %and3A_594 = arith.andi %eq3A_593, %lt3A_121 : vector<256x2048xi1>
      %or3A_595 = arith.ori %gt3A_590, %and3A_594 : vector<256x2048xi1>
      %convert_element_type3A_596 = arith.extui %or3A_595 : vector<256x2048xi1> to vector<256x2048xi32>
      %reduce_sum3A_597 = arith.constant dense<0> : vector<2048xi32>
      %reduce_sum3A_598 = vector.multi_reduction <add>, %convert_element_type3A_596, %reduce_sum3A_597 [0] : vector<256x2048xi32> to vector<2048xi32>
      %broadcast_in_dim3A_599 = vector.shape_cast %reduce_sum3A_598 : vector<2048xi32> to vector<1x2048xi32>
      %add3A_600 = arith.addi %add3A_586, %broadcast_in_dim3A_599 : vector<1x2048xi32>
      %slice3A_601 = vector.extract_strided_slice %transpose3A {offsets = [1536, 3], sizes = [256, 1], strides = [1, 1]} : vector<2048x4xf32> to vector<256x1xf32>
      %gt3A_602 = vector.broadcast %slice3A_601 : vector<256x1xf32> to vector<256x2048xf32>
      %gt3A_603 = vector.broadcast %slice3A_514 : vector<1x2048xf32> to vector<256x2048xf32>
      %gt3A_604 = arith.cmpf ogt, %gt3A_602, %gt3A_603 : vector<256x2048xf32>
      %eq3A_605 = vector.broadcast %slice3A_601 : vector<256x1xf32> to vector<256x2048xf32>
      %eq3A_606 = vector.broadcast %slice3A_514 : vector<1x2048xf32> to vector<256x2048xf32>
      %eq3A_607 = arith.cmpf oeq, %eq3A_605, %eq3A_606 : vector<256x2048xf32>
      %and3A_608 = arith.andi %eq3A_607, %lt3A_126 : vector<256x2048xi1>
      %or3A_609 = arith.ori %gt3A_604, %and3A_608 : vector<256x2048xi1>
      %convert_element_type3A_610 = arith.extui %or3A_609 : vector<256x2048xi1> to vector<256x2048xi32>
      %reduce_sum3A_611 = arith.constant dense<0> : vector<2048xi32>
      %reduce_sum3A_612 = vector.multi_reduction <add>, %convert_element_type3A_610, %reduce_sum3A_611 [0] : vector<256x2048xi32> to vector<2048xi32>
      %broadcast_in_dim3A_613 = vector.shape_cast %reduce_sum3A_612 : vector<2048xi32> to vector<1x2048xi32>
      %add3A_614 = arith.addi %add3A_600, %broadcast_in_dim3A_613 : vector<1x2048xi32>
      %slice3A_615 = vector.extract_strided_slice %transpose3A {offsets = [1792, 3], sizes = [256, 1], strides = [1, 1]} : vector<2048x4xf32> to vector<256x1xf32>
      %gt3A_616 = vector.broadcast %slice3A_615 : vector<256x1xf32> to vector<256x2048xf32>
      %gt3A_617 = vector.broadcast %slice3A_514 : vector<1x2048xf32> to vector<256x2048xf32>
      %gt3A_618 = arith.cmpf ogt, %gt3A_616, %gt3A_617 : vector<256x2048xf32>
      %eq3A_619 = vector.broadcast %slice3A_615 : vector<256x1xf32> to vector<256x2048xf32>
      %eq3A_620 = vector.broadcast %slice3A_514 : vector<1x2048xf32> to vector<256x2048xf32>
      %eq3A_621 = arith.cmpf oeq, %eq3A_619, %eq3A_620 : vector<256x2048xf32>
      %and3A_622 = arith.andi %eq3A_621, %lt3A_131 : vector<256x2048xi1>
      %or3A_623 = arith.ori %gt3A_618, %and3A_622 : vector<256x2048xi1>
      %convert_element_type3A_624 = arith.extui %or3A_623 : vector<256x2048xi1> to vector<256x2048xi32>
      %reduce_sum3A_625 = arith.constant dense<0> : vector<2048xi32>
      %reduce_sum3A_626 = vector.multi_reduction <add>, %convert_element_type3A_624, %reduce_sum3A_625 [0] : vector<256x2048xi32> to vector<2048xi32>
      %broadcast_in_dim3A_627 = vector.shape_cast %reduce_sum3A_626 : vector<2048xi32> to vector<1x2048xi32>
      %add3A_628 = arith.addi %add3A_614, %broadcast_in_dim3A_627 : vector<1x2048xi32>
      %swap3A_629 = arith.constant 3 : index
      %swap3A_630 = arith.constant 0 : index
      %swap3A_631 = vector.load %arg10[%swap3A_629, %swap3A_630] : memref<4x2048xi32, #tpu.memory_space<vmem>>, vector<1x2048xi32>
      tpu.vector_store %arg10[%swap3A_629, %swap3A_630], %add3A_628 {strides = array<i32>} : memref<4x2048xi32, #tpu.memory_space<vmem>>, vector<1x2048xi32>,
      %lt3A_632 = arith.constant 512 : i32
      %lt3A_633 = vector.broadcast %lt3A_632 : i32 to vector<1x2048xi32>
      %lt3A_634 = arith.cmpi slt, %add3A_628, %lt3A_633 : vector<1x2048xi32>
      %convert_element_type3A_635 = arith.extui %lt3A_634 : vector<1x2048xi1> to vector<1x2048xi32>
      %convert_element_type3A_636 = arith.sitofp %convert_element_type3A_635 : vector<1x2048xi32> to vector<1x2048xf32>
      %slice3A_637 = vector.extract_strided_slice %div3A_92 {offsets = [3, 0], sizes = [1, 2048], strides = [1, 1]} : vector<4x2048xf32> to vector<1x2048xf32>
      %add3A_638 = arith.addf %convert_element_type3A_636, %slice3A_637 : vector<1x2048xf32>
      %sub3A_639 = arith.subf %add3A_638, %slice3A_637 : vector<1x2048xf32>
      %swap3A_640 = arith.constant 3 : index
      %swap3A_641 = arith.constant 0 : index
      %swap3A_642 = vector.load %arg9[%swap3A_640, %swap3A_641] : memref<4x2048xf32, #tpu.memory_space<vmem>>, vector<1x2048xf32>
      tpu.vector_store %arg9[%swap3A_640, %swap3A_641], %sub3A_639 {strides = array<i32>} : memref<4x2048xf32, #tpu.memory_space<vmem>>, vector<1x2048xf32>,
    } else {
    }
    return
  }
  func.func @transform_0(%arg0: i32) -> (i32, i32, i32) {
    %c0_i32 = arith.constant 0 : i32
    %c0_i32_0 = arith.constant 0 : i32
    %c0_i32_1 = arith.constant 0 : i32
    return %c0_i32, %arg0, %c0_i32_0 : i32, i32, i32
  }
  func.func @transform_1(%arg0: i32) -> (i32, i32) {
    %c0_i32 = arith.constant 0 : i32
    %c0_i32_0 = arith.constant 0 : i32
    %c0_i32_1 = arith.constant 0 : i32
    return %c0_i32, %c0_i32_0 : i32, i32
  }
  func.func @transform_2(%arg0: i32) -> (i32, i32) {
    %c0_i32 = arith.constant 0 : i32
    %c0_i32_0 = arith.constant 0 : i32
    %c0_i32_1 = arith.constant 0 : i32
    return %c0_i32, %c0_i32_0 : i32, i32
  }
  func.func @transform_3(%arg0: i32) -> (i32, i32) {
    %c0_i32 = arith.constant 0 : i32
    %c0_i32_0 = arith.constant 0 : i32
    %c0_i32_1 = arith.constant 0 : i32
    return %c0_i32, %c0_i32_0 : i32, i32
  }
  func.func @transform_4(%arg0: i32) -> (i32, i32) {
    %c0_i32 = arith.constant 0 : i32
    %c0_i32_0 = arith.constant 0 : i32
    %c0_i32_1 = arith.constant 0 : i32
    return %c0_i32, %c0_i32_0 : i32, i32
  }
  func.func @transform_5(%arg0: i32) -> (i32, i32) {
    %c0_i32 = arith.constant 0 : i32
    %c0_i32_0 = arith.constant 0 : i32
    %c0_i32_1 = arith.constant 0 : i32
    return %c0_i32, %c0_i32_0 : i32, i32
  }
  func.func @transform_6(%arg0: i32) -> (i32, i32) {
    %c0_i32 = arith.constant 0 : i32
    %c0_i32_0 = arith.constant 0 : i32
    %c0_i32_1 = arith.constant 0 : i32
    return %c0_i32, %c0_i32_0 : i32, i32
  }
  func.func @transform_7(%arg0: i32) -> (i32, i32) {
    %c0_i32 = arith.constant 0 : i32
    %c0_i32_0 = arith.constant 0 : i32
    %c0_i32_1 = arith.constant 0 : i32
    return %c0_i32, %c0_i32_0 : i32, i32
  }
  func.func @transform_8(%arg0: i32) -> (i32, i32) {
    %c0_i32 = arith.constant 0 : i32
    %c0_i32_0 = arith.constant 0 : i32
    %c0_i32_1 = arith.constant 0 : i32
    return %c0_i32, %c0_i32_0 : i32, i32
  }
  func.func @transform_9(%arg0: i32) -> (i32, i32) {
    %c0_i32 = arith.constant 0 : i32
    %c0_i32_0 = arith.constant 0 : i32
    %c0_i32_1 = arith.constant 0 : i32
    return %c0_i32, %c0_i32_0 : i32, i32
  }
}

</mosaic_0001>

<sc_bundles>
// kernel: kernel.4.cloned.1.call-start
scs
__scs_entry_jumppad:
0x0: {  	(pc) =	sbr.rel $0x88, $3  }
0x1: {  	(tag) =	ssettag $0x0;
	lr =	simm.s32 $0x1  }
0x2: {  	[smem:$0x3F99] =	sst lr;
	_ =	strace $0xD0000000  }
0x3: {  	_ = 	snop  }
0x4: {  	_ = 	snop  }
0x5: {  	_ = 	snop  }
0x6: {  	_ = 	snop  }
0x7: {  	_ = 	snop  }
__scs_overlays_trampoline_lowered:
0x8: {  	[smem:$0x3FA8] =	sst s0  }
0x9: {  	[smem:$0x3FA9] =	sst s1  }
0xa: {  	[smem:$0x3FAA] =	sst s2  }
0xb: {  	[smem:$0x3FAB] =	sst s3  }
0xc: {  	[smem:$0x3FAC] =	sst s4  }
0xd: {  	[smem:$0x3FAD] =	sst s5  }
0xe: {  	[smem:$0x3FAE] =	sst s6  }
0xf: {  	[smem:$0x3FAF] =	sst s7  }
0x10: {  	[smem:$0x3FB0] =	sst s8  }
0x11: {  	[smem:$0x3FB1] =	sst s9;
	s0 =	simm.s32 @!p0 $0x0  }
0x12: {  	s1 =	sld [smem:$0x3F97];
	s0 =	simm.s32 @p0 $0x1  }
0x13: {  	[smem:$0x3FB2] =	sst s0;
	s0 =	simm.s32 @!p1 $0x0  }
0x14: {  	s2 =	sld [smem:$0x3F96];
	s0 =	simm.s32 @p1 $0x1  }
0x15: {  	[smem:$0x3FB3] =	sst s0;
	s0 =	simm.s32 @!p2 $0x0  }
0x16: {  	s3 =	sld [smem:$0x3FDB];
	s0 =	simm.s32 @p2 $0x1  }
0x17: {  	s4 =	simm.s32 $0x1BF5;
	[smem:$0x3FB5] =	sst s0  }
0x18: {  	s0 =	sld [smem:$0x3F98];
	_ =	swait.ge [sflag:s4], $0x0  }
0x19: {  	s7 =	sld [smem:$0x3F99]  }
0x1a: {  	s8 =	sadd.s32 $0xFFFFE003, lr  }
0x1b: {  	s9 =	sadd.s32 $0xFFFFFEF7, lr;
	s5 =	simm.s32 $0xFFFFFFFF;
	p2 =	slt.u32 s8, $0xFFFFF086  }
0x1c: {  	p1 =	slt.u32 s9, $0xF7A;
	s5 =	simm.s32 @!p2 $0x0  }
0x1d: {  	s5 =	simm.s32 @p1 $0x1;
	p0 =	seq.s32 s7, s2  }
0x1e: {  	s7 =	smul.u32 @!p0 $0xF7A, s2;
	p2 =	seq.s32 @!p0 s5, $0x0  }
0x1f: {  	s9 =	smul.u32 $0xF7A, s1;
	s8 =	simm.s32 @!p0 $0x1BF5;
	p2 =	por !p2, p0  }
0x20: {  	[sflag:s8] =	ssyncset.s32 @!p0 $0xFFFFF086;
	s6 =	sadd.s32 @!p0 s3, s7;
	s7 =	simm.s32 @!p0 $0x108  }
0x21: {  	s3 =	sadd.s32 s3, s9;
	s6 =	sadd.s32 @!p0 $0x88, s6;
	s7 =	simm.s32 @p2 $0x1082  }
0x22: {  	[simem:s7], [sflag:s8] =	dma.local @!p0 [hbm:s6], $0xF7A  }
0x23: {  	s9 =	sor.u32 $0xD0000000, s2;
	s6 =	simm.s32 $0x108;
	_ =	swait.ge @!p0 [sflag:s8], $0x0  }
0x24: {  	s3 =	sadd.s32 $0x88, s3;
	s6 =	simm.s32 @!p1 $0x1082;
	[sflag:s4] =	ssyncset.s32 $0xFFFFF086  }
0x25: {  	[simem:s6], [sflag:s4] =	dma.local [hbm:s3], $0xF7A  }
0x26: {  	[smem:$0x3F99] =	sst s1;
	(tag) =	ssettag s2;
	_ =	strace s9  }
0x27: {  	s1 =	sld [smem:$0x3FA9]  }
0x28: {  	s2 =	sld [smem:$0x3FAA]  }
0x29: {  	s4 =	sld [smem:$0x3FAC]  }
0x2a: {  	p0 =	seq.s32 s5, $0x0;
	s5 =	sld [smem:$0x3FAD]  }
0x2b: {  	s6 =	sld [smem:$0x3FAE]  }
0x2c: {  	s7 =	sld [smem:$0x3FAF]  }
0x2d: {  	s3 =	simm.s32 $0x108;
	s8 =	sld [smem:$0x3FB0]  }
0x2e: {  	s3 =	simm.s32 @!p0 $0x1082;
	s9 =	sld [smem:$0x3FB1]  }
0x2f: {  	lr =	sadd.s32 s0, s3;
	s0 =	sld [smem:$0x3FA8]  }
0x30: {  	s3 =	sld [smem:$0x3FAB]  }
0x31: {  	[smem:$0x3FB4] =	sst s10  }
0x32: {  	s10 =	sld [smem:$0x3FB2];
	_ =	sdelay $0x3  }
0x33: {  	p0 =	seq.s32 s10, $0x1;
	s10 =	sld [smem:$0x3FB4];
	_ =	sdelay $0x3  }
0x34: {  	[smem:$0x3FB4] =	sst s10  }
0x35: {  	s10 =	sld [smem:$0x3FB3];
	_ =	sdelay $0x3  }
0x36: {  	p1 =	seq.s32 s10, $0x1;
	s10 =	sld [smem:$0x3FB4];
	_ =	sdelay $0x3  }
0x37: {  	[smem:$0x3FB4] =	sst s10  }
0x38: {  	s10 =	sld [smem:$0x3FB5]  }
0x39: {  	_ = 	snop;
	(pc) =	sbr.ind lr, $3  }
0x3a: {  	_ = 	snop  }
0x3b: {  	_ = 	snop  }
0x3c: {  	p2 =	seq.s32 s10, $0x1;
	s10 =	sld [smem:$0x3FB4]  }
0x3d: {  	_ =	shalt  }
0x3e: {  	_ =	shalt  }
0x3f: {  	_ =	shalt  }
0x40: {  	_ =	shalt  }
0x41: {  	_ =	shalt  }
0x42: {  	_ =	shalt  }
0x43: {  	_ =	shalt  }
0x44: {  	_ =	shalt  }
0x45: {  	_ =	shalt  }
0x46: {  	_ =	shalt  }
0x47: {  	_ =	shalt  }
0x48: {  	_ =	shalt  }
0x49: {  	_ =	shalt  }
0x4a: {  	_ =	shalt  }
0x4b: {  	_ =	shalt  }
0x4c: {  	_ =	shalt  }
0x4d: {  	_ =	shalt  }
0x4e: {  	_ =	shalt  }
0x4f: {  	_ =	shalt  }
0x50: {  	_ =	shalt  }
0x51: {  	_ =	shalt  }
0x52: {  	_ =	shalt  }
0x53: {  	_ =	shalt  }
0x54: {  	_ =	shalt  }
0x55: {  	_ =	shalt  }
0x56: {  	_ =	shalt  }
0x57: {  	_ =	shalt  }
0x58: {  	_ =	shalt  }
0x59: {  	_ =	shalt  }
0x5a: {  	_ =	shalt  }
0x5b: {  	_ =	shalt  }
0x5c: {  	_ =	shalt  }
0x5d: {  	_ =	shalt  }
0x5e: {  	_ =	shalt  }
0x5f: {  	_ =	shalt  }
0x60: {  	_ =	shalt  }
0x61: {  	_ =	shalt  }
0x62: {  	_ =	shalt  }
0x63: {  	_ =	shalt  }
0x64: {  	_ =	shalt  }
0x65: {  	_ =	shalt  }
0x66: {  	_ =	shalt  }
0x67: {  	_ =	shalt  }
0x68: {  	_ =	shalt  }
0x69: {  	_ =	shalt  }
0x6a: {  	_ =	shalt  }
0x6b: {  	_ =	shalt  }
0x6c: {  	_ =	shalt  }
0x6d: {  	_ =	shalt  }
0x6e: {  	_ =	shalt  }
0x6f: {  	_ =	shalt  }
0x70: {  	_ =	shalt  }
0x71: {  	_ =	shalt  }
0x72: {  	_ =	shalt  }
0x73: {  	_ =	shalt  }
0x74: {  	_ =	shalt  }
0x75: {  	_ =	shalt  }
0x76: {  	_ =	shalt  }
0x77: {  	_ =	shalt  }
0x78: {  	_ =	shalt  }
0x79: {  	_ =	shalt  }
0x7a: {  	_ =	shalt  }
0x7b: {  	_ =	shalt  }
0x7c: {  	_ =	shalt  }
0x7d: {  	_ =	shalt  }
0x7e: {  	_ =	shalt  }
0x7f: {  	_ =	shalt  }
0x80: {  	_ =	shalt  }
0x81: {  	_ =	shalt  }
0x82: {  	_ =	shalt  }
0x83: {  	_ =	shalt  }
0x84: {  	_ =	shalt  }
0x85: {  	_ =	shalt  }
0x86: {  	_ =	shalt  }
0x87: {  	_ =	shalt  }
.Lfunc_end0:
.L_simem_size_0:
called_computation_lowered:
.L_overlay_start_0:
0x88: {  	s2 =	sld [smem:$0x3FD9]  }
0x89: {  	s3 =	sld [smem:$0x3FFE];
	_ =	sdelay $0x1  }
0x8a: {  	s1 =	srdreg.scid  }
0x8b: {  	s0 =	sand.u32 $0x1, s1  }
0x8c: {  	s14 =	sshll.u32 s0, $0xA;
	s2 =	sadd.s32 s3, s2  }
0x8d: {  	s2 =	sadd.s32 s2, s14  }
0x8e: {  	[smem:$0x3FC0] =	sst s2  }
0x8f: {  	_ = 	snop  }
0x90: {  	s2 =	sld [smem:$0x3FD0];
	_ =	sdelay $0x2  }
0x91: {  	s15 =	simm.s32 $0xA;
	s4 =	simm.s32 $0x10  }
0x92: {  	[smem:s4], [sflag:s15] =	dma.local [hbm:s2], $0x1  }
0x93: {  	_ =	swait.eq [sflag:s15], $0x1  }
0x94: {  	[sflag:s15] =	ssyncset.done $0x0  }
0x95: {  	[sflag:s15] =	ssyncadd.s32 $0xFFFFFFFF  }
0x96: {  	s16 =	sld [smem:$0x10];
	(tm) =	ssettm $0x1  }
0x97: {  	s17 =	sld [smem:$0x3FFB];
	_ =	sdelay $0x3  }
0x98: {  	_ =	strace s17  }
0x99: {  	s3 =	sld [smem:$0x3FFC];
	_ =	sdelay $0x3  }
0x9a: {  	_ =	strace s3  }
0x9b: {  	s3 =	sld [smem:$0x3FFD];
	_ =	sdelay $0x3  }
0x9c: {  	_ =	strace s3  }
0x9d: {  	_ =	strace $0x8FFFFFFF  }
0x9e: {  	s18 =	sld [smem:$0x3FDB];
	_ =	sdelay $0x1  }
0x9f: {  	s19 =	simm.s32 $_scs_section_size  }
0xa0: {  	s5 =	simm.s32 $_size__tile_overlayer_lowered;
	s6 =	simm.s32 $_tile_overlayer_lowered  }
0xa1: {  	s22 =	simm.s32 $0x1BFF;
	s21 =	sshll.u32 s6, $0x1;
	s3 =	sadd.s32 s19, s18  }
0xa2: {  	s7 =	simm.s32 $0x0;
	s20 =	sshll.u32 s5, $0x1;
	s5 =	sadd.s32 s21, s3  }
0xa3: {  	[timem:s7], [sflag:s22] =	dma.local [hbm:s5], s20  }
0xa4: {  	_ =	swait.ge [sflag:s22], s20  }
0xa5: {  	s4 =	ssub.s32 $0x0, s20;
	[sflag:s22] =	ssyncset.done $0x0  }
0xa6: {  	[sflag:s22] =	ssyncadd.s32 s4;
	_ =	sdelay $0x1  }
0xa7: {  	s23 =	simm.s32 $0x1B8B  }
0xa8: {  	_ =	swait.ge [sflag:s23], $0x1  }
0xa9: {  	[sflag:s23] =	ssyncset.done $0x0  }
0xaa: {  	s25 =	simm.s32 $0x1B8E;
	s24 =	sld [smem:$0x3FFE];
	[sflag:s23] =	ssyncadd.s32 $0xFFFFFFFF  }
0xab: {  	s26 =	simm.s32 $execute0_lowered;
	[smem:$0x3FD2] =	sst s25  }
0xac: {  	s5 =	sshll.u32 s26, $0x1;
	_ =	strace $0x80000046;
	[dreg:$0x1] =	wrdreg $0xFFFFFFFF  }
0xad: {  	s28 =	simm.s32 $_size_execute0_lowered;
	s3 =	sadd.s32 s3, s5;
	[dreg:$0x0] =	wrdreg $0x0  }
0xae: {  	s5 =	sshll.u32 s28, $0x1;
	[dreg:$0x2] =	wrdreg s3  }
0xaf: {  	[dreg:$0x3] =	wrdreg s5  }
0xb0: {  	[dreg:$0x4] =	wrdreg $0xC0  }
0xb1: {  	_ =	task [dreg:s7], $0x5FFFF  }
0xb2: {  	[dreg:$0x1] =	wrdreg $0xFFFFFFFF  }
0xb3: {  	[dreg:$0x0] =	wrdreg $0x60  }
0xb4: {  	[dreg:$0x2] =	wrdreg s24  }
0xb5: {  	[dreg:$0x3] =	wrdreg s16  }
0xb6: {  	[dreg:$0x4] =	wrdreg $0x9  }
0xb7: {  	_ =	task.clear_ibuf [dreg:s7], $0x5FFFF;
	_ =	strace $0x90000046  }
0xb8: {  	s29 =	simm.s32 $0x9;
	_ =	strace $0x80000048  }
0xb9: {  	_ =	swait.ge [sflag:s29], $0x1  }
0xba: {  	[sflag:s29] =	ssyncadd.s32 $0xFFFFFFFF  }
0xbb: {  	_ =	strace $0x90000048  }
0xbc: {  	_ =	sfence  }
0xbd: {  	s30 =	sld [smem:$0x0];
	_ =	sdelay $0x2  }
0xbe: {  	s31 =	sshll.u32 s1, $0xD;
	s1 =	sshrl.u32 s1, $0x2  }
0xbf: {  	s3 =	sand.u32 $0x4000, s31;
	s1 =	sadd.s32 s1, s30  }
0xc0: {  	s0 =	sor.u32 s3, s0;
	s1 =	sshll.u32 s1, $0x11  }
0xc1: {  	s0 =	sor.u32 s1, s0  }
0xc2: {  	s0 =	sadd.s32 $0x8F2B, s0  }
0xc3: {  	[sflag:s0] =	ssyncadd.remote.s32 $0x1  }
0xc4: {  	_ =	sfence.sel $0xFFFF  }
0xc5: {  	[dreg:$0x0] =	wrdreg $0xFFFFFFFF;
	(pc) =	sbr.abs _section_cstart, $3  }
0xc6: {  	[dreg:$0x1] =	wrdreg $0xFFFFFFFF  }
0xc7: {  	_ =	task.clear_ibuf [dreg:s7], $0x2FFFF;
	_ =	strace $0x9FFFFFFF  }
0xc8: {  	(tm) =	ssettm $0x7FFFFFFF  }
0xc9: {  	_ =	shalt  }
tec
execute0_lowered:
.L_overlay_start_1:
0x0: {  	(tag) =	ssettag $0x1  }
0x1: {  	s1 =	stileid.u32  }
0x2: {  	p0 =	sgt.u32 s1, $0x1  }
.Ltmp0:
0x3: {  	_ = 	snop;
	(pc) =	sbr.rel @p0 .LBB2_5-.Ltmp0, $4  }
0x4: {  	s3 =	rddreg [dreg:$0x0]  }
0x5: {  	s4 =	rddreg [dreg:$0x1];
	s2 =	simm.s32 $0x0  }
0x6: {  	[smem:$0x7FF] =	sst s2  }
0x7: {  	s0 =	rddreg [dreg:$0x2];
	_ =	strace $0x80000047  }
0x8: {  	s5 =	srdreg.scid  }
0x9: {  	s6 =	sshll.u32 s1, $0x5;
	s8 =	sadd.s32 $0x1600, s3;
	s5 =	sand.u32 $0x1, s5  }
0xa: {  	s9 =	simm.s32 $0x800;
	s7 =	sshll.u32 s5, $0x4;
	s5 =	ssub.s32 $0x2, s5  }
0xb: {  	s6 =	sor.u32 s7, s6;
	s31 =	sshrl.u32 s5, $0x1;
	s7 =	simm.s32 $0x200  }
0xc: {  	s3 =	sadd.s32 s4, s6;
	s5 =	ssub.s32 s5, s31;
	s4 =	sadd.s32 s8, s6  }
0xd: {  	v0 =	vlaneseq.u32;
	s6 =	simm.s32 $0x80;
	s8 =	simm.s32 $0x1;
	s5 =	smax.u32 s5, $0x1  }
.LBB2_2:
0xe: {  	s10 =	simm.s32 $0x0  }
0xf: {  	[tilespmem:s10], [sflag:$0x1] =	stream.strided.gather [hbm4b:s4+s6], $0x800, s7, s6, $0x38;
	[tilespmem:$0xA00] =	vst v63  }
0x10: {  	_ =	swait.ge [sflag:s8], $0x800  }
0x11: {  	[sflag:s8] =	ssyncset.done $0x0  }
0x12: {  	[sflag:s8] =	ssyncadd.s32 $0xFFFFF800  }
0x13: {  	s11 =	simm.s32 $0x10;
	s12 =	simm.s32 $0x0;
	v1 =	vld [tilespmem:s10+$0x0]  }
.LBB2_3:
0x14: {  	p0 =	sne.s32 s11, $0x7F0;
	_ =	sdelay $0x3  }
0x15: {  	vm0 =	vlt.s32 v1, $0x200  }
0x16: {  	v1 =	vnsel vm0, $0x0, v1;
	_ =	sdelay $0x1  }
.Ltmp1:
0x17: {  	(pc) =	sbr.rel @p0 .LBB2_3-.Ltmp1, $4  }
0x18: {  	_ = 	snop  }
0x19: {  	v2 =	vor.u32 s10, v0;
	s10 =	smov.u32 s11  }
0x1a: {  	s12 =	sadd.s32 $0x10, s12;
	[tilespmem:v1+s9+$0x0] =	vst.idx.msk vm0, v2  }
0x1b: {  	s11 =	sadd.s32 $0x10, s11;
	v1 =	vld [tilespmem:s12+$0x0]  }
0x1c: {  	_ =	sdelay $0x3  }
0x1d: {  	vm0 =	vlt.s32 v1, $0x200  }
0x1e: {  	v1 =	vnsel vm0, $0x0, v1;
	_ =	sdelay $0x2  }
0x1f: {  	s2 =	sadd.s32 $0x1, s2  }
0x20: {  	v2 =	vor.u32 s10, v0;
	p0 =	sne.s32 s2, s5  }
.Ltmp2:
0x21: {  	[tilespmem:v1+s9+$0x0] =	vst.idx.msk vm0, v2;
	(pc) =	sbr.rel @p0 .LBB2_2-.Ltmp2, $4  }
0x22: {  	[hbm4b:s3+s6] =	stream.strided.scatter [tilespmem:s9], [sflag:$0x1], $0x200, s7, s6, $0x38;
	[tilespmem:$0xA00] =	vst v63  }
0x23: {  	_ =	swait.ge [sflag:s8], $0x200  }
0x24: {  	[sflag:s8] =	ssyncset.done $0x0  }
0x25: {  	[sflag:s8] =	ssyncadd.s32 $0xFFFFFE00  }
.LBB2_5:
0x26: {  	_ =	sfence.sel $0x180000  }
0x27: {  	[bflag:$0x0] =	sbarrier.arrive $0xFFFF  }
0x28: {  	p0 =	sne.s32 s1, $0x0;
	_ =	strace $0x90000047  }
0x29: {  	s0 =	sadd.s32 @!p0 $0x100000, s0;
	[bflag:$0x2] =	sbarrier.arrive $0xFFFF  }
0x2a: {  	[sflag:s0] =	ssyncadd.tile.s32 @!p0 $0x1;
	_ =	shalt  }
.Lfunc_end2:
_tile_overlayer_lowered:
.L_overlay_start_2:
0x2b: {  	(tag) =	ssettag $0x2  }
0x2c: {  	s0 =	rddreg [dreg:$0x0];
	s2 =	stileid.u32  }
0x2d: {  	s1 =	rddreg [dreg:$0x1];
	p0 =	sne.s32 s2, $0x0  }
0x2e: {  	s3 =	rddreg [dreg:$0x2];
	[bflag:$0x3] =	sbarrier.arrive $0xFFFF;
	s2 =	simm.s32 @!p0 $0x1C01  }
0x2f: {  	[timem:s3], [sflag:s2] =	dma.local @!p0 [hbm:s0], s1  }
0x30: {  	s0 =	simm.s32 @!p0 $0x1  }
0x31: {  	_ =	swait.ge @!p0 [sflag:s0], s1  }
0x32: {  	s1 =	ssub.s32 @!p0 $0x0, s1;
	[sflag:s0] =	ssyncset.done @!p0 $0x0  }
0x33: {  	[sflag:s0] =	ssyncadd.s32 @!p0 s1  }
0x34: {  	[bflag:$0x3] =	sbarrier.arrive $0xFFFF  }
0x35: {  	_ =	shalt  }

</sc_bundles>
